<compile_context>
chip_gen: v7x
topology: tpu7x:2x2x1
jax: 0.10.2.dev20260603
libtpu: 0.0.44.dev20260713+nightly
codegen_flags: <defaults>
</compile_context>

<pallas_src>
import functools

import jax
import jax.numpy as jnp
from jax import lax
from jax.experimental import pallas as pl
from jax.experimental.pallas import tpu as pltpu
from jax.experimental.pallas import tpu_sc as plsc

B = 1024
A = 50
D = 128
L = 16
NC, NS = 2, 16
NW = NC * NS
BPW = B // NW
NBUF = 4
KD = D // L
INV_A = 1.0 / A

_mesh = plsc.VectorSubcoreMesh(core_axis_name="c", subcore_axis_name="s")


@functools.partial(
    pl.kernel,
    mesh=_mesh,
    out_type=jax.ShapeDtypeStruct((B, D), jnp.float32),
    scratch_types=[
        pltpu.VMEM((BPW, A), jnp.int32),
        pltpu.VMEM((NBUF, A, D), jnp.float32),
        pltpu.VMEM((BPW, D), jnp.float32),
        pltpu.SemaphoreType.DMA,
        pltpu.SemaphoreType.DMA,
        pltpu.SemaphoreType.DMA,
        pltpu.SemaphoreType.DMA,
    ],
)
def _cg_pool(feat_hbm, idx_hbm, out_hbm, idx_v, rows_v, out_v,
             sem0, sem1, sem2, sem3):
    wid = lax.axis_index("s") * NC + lax.axis_index("c")
    sems = (sem0, sem1, sem2, sem3)

    pltpu.sync_copy(idx_hbm.at[pl.ds(wid * BPW, BPW)], idx_v)

    def start_gather(c, b):
        pltpu.async_copy(feat_hbm.at[idx_v.at[c]], rows_v.at[b], sems[b])

    def wait_gather(c, b):
        pltpu.make_async_copy(
            feat_hbm.at[idx_v.at[c]], rows_v.at[b], sems[b]
        ).wait()

    for b in range(NBUF):
        start_gather(b, b)

    def compute_crystal(c, b):
        def row_body(r, accs):
            return tuple(
                accs[k] + rows_v[b, r, pl.ds(k * L, L)]
                for k in range(KD)
            )

        accs = lax.fori_loop(
            0, A, row_body,
            tuple(jnp.zeros((L,), jnp.float32) for _ in range(KD)),
        )
        for k in range(KD):
            out_v[c, pl.ds(k * L, L)] = accs[k] * INV_A

    def chunk_body(o, carry):
        for b in range(NBUF):
            c = o * NBUF + b
            wait_gather(c, b)

            @pl.when(c + NBUF < BPW)
            def _start_next():
                start_gather(c + NBUF, b)

            compute_crystal(c, b)
        return carry

    lax.fori_loop(0, BPW // NBUF, chunk_body, 0)

    pltpu.sync_copy(out_v, out_hbm.at[pl.ds(wid * BPW, BPW)])


def kernel(atom_features, atom_indices):
    idx = atom_indices
    if idx.dtype != jnp.int32:
        idx = idx.astype(jnp.int32)
    return _cg_pool(atom_features, idx)

# --- scband reference (transcript-rebuilt; emitter-appended) ---
"""Pipeline reference for scband-cgpooling-43628277793242 (READ-ONLY COPY).

The authoritative reference and input builder live on the scoring server;
editing this copy changes nothing except your own understanding.
"""

import jax, jax.numpy as jnp
import numpy as np


def setup_inputs(seed: int = 0) -> dict:
    key = jax.random.key(seed)
    k1, k2 = jax.random.split(key)
    atom_features = jax.random.normal(k1, (100000, 128), dtype=jnp.float32)
    atom_indices = jax.random.randint(k2, (1024, 50), 0, 100000).astype(jnp.int64)
    return {"atom_features": atom_features, "atom_indices": atom_indices}


def reference(atom_features, atom_indices):
    # Faithful to CGPooling.__call__: for each crystal (row of atom_indices),
    # gather its atoms' features and average over atoms, then stack over batch.
    # Vectorized form of:
    #   [jnp.mean(atom_features[idx, :], axis=0, keepdims=True) for idx in atom_indices]
    gathered = jnp.take(atom_features, atom_indices, axis=0)  # (B, A, d)
    averaged_features = jnp.mean(gathered, axis=1)            # (B, d)
    return averaged_features

if __name__ == "__main__":
    import jax
    _d = setup_inputs()
    print(jax.jit(kernel)(*tuple(_d.values())))

</pallas_src>

<mosaic_0001>
#map = affine_map<(d0, d1) -> (0, 0)>
module attributes {stable_mosaic.version = 14 : i64} {
  func.func @_cg_pool(%arg0: i32, %arg1: i32, %arg2: memref<100000x128xf32, #tpu.memory_space<hbm>>, %arg3: memref<1024x50xi32, #tpu.memory_space<hbm>>, %arg4: memref<1024x128xf32, #tpu.memory_space<hbm>>, %arg5: memref<32x50xi32, #tpu.memory_space<vmem>>, %arg6: memref<4x50x128xf32, #tpu.memory_space<vmem>>, %arg7: memref<32x128xf32, #tpu.memory_space<vmem>>, %arg8: memref<!tpu.dma_semaphore, #tpu.memory_space<semaphore_mem>>, %arg9: memref<!tpu.dma_semaphore, #tpu.memory_space<semaphore_mem>>, %arg10: memref<!tpu.dma_semaphore, #tpu.memory_space<semaphore_mem>>, %arg11: memref<!tpu.dma_semaphore, #tpu.memory_space<semaphore_mem>>) attributes {dimension_semantics = [#tpu.dimension_semantics<core_parallel>, #tpu.dimension_semantics<subcore_parallel>], iteration_bounds = array<i64: 2, 16>, scalar_prefetch = 0 : i64, scratch_operands = 7 : i64, tpu.core_type = #tpu.core_type<sc_vector_subcore>, window_params = [{transform_indices = #map}, {transform_indices = #map}, {transform_indices = #map}]} {
    %mul3A = arith.constant 2 : i32
    %mul3A_0 = arith.muli %arg1, %mul3A : i32
    %add3A = arith.addi %mul3A_0, %arg0 : i32
    %mul3A_1 = arith.constant 32 : i32
    %mul3A_2 = arith.muli %add3A, %mul3A_1 : i32
    "tpu.region"() ({
      %run_scoped3A = tpu.sem_alloc : memref<!tpu.dma_semaphore, #tpu.memory_space<semaphore_mem>>
      %dma_start3A_57 = arith.constant 0 : i32
      %dma_start3A_58 = tpu.memref_slice %arg3[%mul3A_2, %dma_start3A_57] : memref<1024x50xi32, #tpu.memory_space<hbm>> -> memref<32x50xi32, #tpu.memory_space<hbm>>
      %dma_start3A_59 = arith.constant 0 : i32
      %dma_start3A_60 = tpu.memref_slice %arg3[%mul3A_2, %dma_start3A_59] : memref<1024x50xi32, #tpu.memory_space<hbm>> -> memref<32x50xi32, #tpu.memory_space<hbm>>
      tpu.enqueue_dma source(%dma_start3A_60 : memref<32x50xi32, #tpu.memory_space<hbm>>) target(%arg5 : memref<32x50xi32, #tpu.memory_space<vmem>>) target_semaphore(%run_scoped3A : memref<!tpu.dma_semaphore, #tpu.memory_space<semaphore_mem>>)
      %dma_wait3A = arith.constant 0 : i32
      %dma_wait3A_61 = tpu.memref_slice %arg3[%mul3A_2, %dma_wait3A] : memref<1024x50xi32, #tpu.memory_space<hbm>> -> memref<32x50xi32, #tpu.memory_space<hbm>>
      %dma_wait3A_62 = arith.constant 0 : i32
      %dma_wait3A_63 = tpu.memref_slice %arg3[%mul3A_2, %dma_wait3A_62] : memref<1024x50xi32, #tpu.memory_space<hbm>> -> memref<32x50xi32, #tpu.memory_space<hbm>>
      tpu.wait_dma2 semaphore(%run_scoped3A : memref<!tpu.dma_semaphore, #tpu.memory_space<semaphore_mem>>) src(%dma_wait3A_63 : memref<32x50xi32, #tpu.memory_space<hbm>>) dst(%arg5 : memref<32x50xi32, #tpu.memory_space<vmem>>)
      tpu.yield
    }) : () -> ()
    %dma_start3A = arith.constant 0 : i32
    %dma_start3A_3 = arith.constant 0 : i32
    %dma_start3A_4 = arith.constant 0 : i32
    %dma_start3A_5 = arith.constant 0 : i32
    %dma_start3A_6 = tpu.memref_slice %arg6[%dma_start3A_3, %dma_start3A_4, %dma_start3A_5] : memref<4x50x128xf32, #tpu.memory_space<vmem>> -> memref<1x50x128xf32, #tpu.memory_space<vmem>>
    %dma_start3A_7 = tpu.memref_squeeze %dma_start3A_6 : memref<1x50x128xf32, #tpu.memory_space<vmem>> -> memref<50x128xf32, #tpu.memory_space<vmem>>
    %dma_start3A_8 = arith.constant 0 : i32
    %dma_start3A_9 = tpu.memref_slice %arg5[%dma_start3A, %dma_start3A_8] : memref<32x50xi32, #tpu.memory_space<vmem>> -> memref<1x50xi32, #tpu.memory_space<vmem>>
    %dma_start3A_10 = tpu.memref_squeeze %dma_start3A_9 : memref<1x50xi32, #tpu.memory_space<vmem>> -> memref<50xi32, #tpu.memory_space<vmem>>
    %dma_start3A_11 = arith.constant 0 : i32
    %dma_start3A_12 = arith.constant 0 : i32
    %dma_start3A_13 = tpu.memref_slice %arg2[%dma_start3A_11, %dma_start3A_12] : memref<100000x128xf32, #tpu.memory_space<hbm>> -> memref<100000x128xf32, #tpu.memory_space<hbm>>
    tpu.enqueue_indirect_dma source(%dma_start3A_13 : memref<100000x128xf32, #tpu.memory_space<hbm>>) target(%dma_start3A_7 : memref<50x128xf32, #tpu.memory_space<vmem>>) offsets(%dma_start3A_10 : memref<50xi32, #tpu.memory_space<vmem>>) semaphore(%arg8 : memref<!tpu.dma_semaphore, #tpu.memory_space<semaphore_mem>>)
    %dma_start3A_14 = arith.constant 1 : i32
    %dma_start3A_15 = arith.constant 1 : i32
    %dma_start3A_16 = arith.constant 0 : i32
    %dma_start3A_17 = arith.constant 0 : i32
    %dma_start3A_18 = tpu.memref_slice %arg6[%dma_start3A_15, %dma_start3A_16, %dma_start3A_17] : memref<4x50x128xf32, #tpu.memory_space<vmem>> -> memref<1x50x128xf32, #tpu.memory_space<vmem>>
    %dma_start3A_19 = tpu.memref_squeeze %dma_start3A_18 : memref<1x50x128xf32, #tpu.memory_space<vmem>> -> memref<50x128xf32, #tpu.memory_space<vmem>>
    %dma_start3A_20 = arith.constant 0 : i32
    %dma_start3A_21 = tpu.memref_slice %arg5[%dma_start3A_14, %dma_start3A_20] : memref<32x50xi32, #tpu.memory_space<vmem>> -> memref<1x50xi32, #tpu.memory_space<vmem>>
    %dma_start3A_22 = tpu.memref_squeeze %dma_start3A_21 : memref<1x50xi32, #tpu.memory_space<vmem>> -> memref<50xi32, #tpu.memory_space<vmem>>
    %dma_start3A_23 = arith.constant 0 : i32
    %dma_start3A_24 = arith.constant 0 : i32
    %dma_start3A_25 = tpu.memref_slice %arg2[%dma_start3A_23, %dma_start3A_24] : memref<100000x128xf32, #tpu.memory_space<hbm>> -> memref<100000x128xf32, #tpu.memory_space<hbm>>
    tpu.enqueue_indirect_dma source(%dma_start3A_25 : memref<100000x128xf32, #tpu.memory_space<hbm>>) target(%dma_start3A_19 : memref<50x128xf32, #tpu.memory_space<vmem>>) offsets(%dma_start3A_22 : memref<50xi32, #tpu.memory_space<vmem>>) semaphore(%arg9 : memref<!tpu.dma_semaphore, #tpu.memory_space<semaphore_mem>>)
    %dma_start3A_26 = arith.constant 2 : i32
    %dma_start3A_27 = arith.constant 2 : i32
    %dma_start3A_28 = arith.constant 0 : i32
    %dma_start3A_29 = arith.constant 0 : i32
    %dma_start3A_30 = tpu.memref_slice %arg6[%dma_start3A_27, %dma_start3A_28, %dma_start3A_29] : memref<4x50x128xf32, #tpu.memory_space<vmem>> -> memref<1x50x128xf32, #tpu.memory_space<vmem>>
    %dma_start3A_31 = tpu.memref_squeeze %dma_start3A_30 : memref<1x50x128xf32, #tpu.memory_space<vmem>> -> memref<50x128xf32, #tpu.memory_space<vmem>>
    %dma_start3A_32 = arith.constant 0 : i32
    %dma_start3A_33 = tpu.memref_slice %arg5[%dma_start3A_26, %dma_start3A_32] : memref<32x50xi32, #tpu.memory_space<vmem>> -> memref<1x50xi32, #tpu.memory_space<vmem>>
    %dma_start3A_34 = tpu.memref_squeeze %dma_start3A_33 : memref<1x50xi32, #tpu.memory_space<vmem>> -> memref<50xi32, #tpu.memory_space<vmem>>
    %dma_start3A_35 = arith.constant 0 : i32
    %dma_start3A_36 = arith.constant 0 : i32
    %dma_start3A_37 = tpu.memref_slice %arg2[%dma_start3A_35, %dma_start3A_36] : memref<100000x128xf32, #tpu.memory_space<hbm>> -> memref<100000x128xf32, #tpu.memory_space<hbm>>
    tpu.enqueue_indirect_dma source(%dma_start3A_37 : memref<100000x128xf32, #tpu.memory_space<hbm>>) target(%dma_start3A_31 : memref<50x128xf32, #tpu.memory_space<vmem>>) offsets(%dma_start3A_34 : memref<50xi32, #tpu.memory_space<vmem>>) semaphore(%arg10 : memref<!tpu.dma_semaphore, #tpu.memory_space<semaphore_mem>>)
    %dma_start3A_38 = arith.constant 3 : i32
    %dma_start3A_39 = arith.constant 3 : i32
    %dma_start3A_40 = arith.constant 0 : i32
    %dma_start3A_41 = arith.constant 0 : i32
    %dma_start3A_42 = tpu.memref_slice %arg6[%dma_start3A_39, %dma_start3A_40, %dma_start3A_41] : memref<4x50x128xf32, #tpu.memory_space<vmem>> -> memref<1x50x128xf32, #tpu.memory_space<vmem>>
    %dma_start3A_43 = tpu.memref_squeeze %dma_start3A_42 : memref<1x50x128xf32, #tpu.memory_space<vmem>> -> memref<50x128xf32, #tpu.memory_space<vmem>>
    %dma_start3A_44 = arith.constant 0 : i32
    %dma_start3A_45 = tpu.memref_slice %arg5[%dma_start3A_38, %dma_start3A_44] : memref<32x50xi32, #tpu.memory_space<vmem>> -> memref<1x50xi32, #tpu.memory_space<vmem>>
    %dma_start3A_46 = tpu.memref_squeeze %dma_start3A_45 : memref<1x50xi32, #tpu.memory_space<vmem>> -> memref<50xi32, #tpu.memory_space<vmem>>
    %dma_start3A_47 = arith.constant 0 : i32
    %dma_start3A_48 = arith.constant 0 : i32
    %dma_start3A_49 = tpu.memref_slice %arg2[%dma_start3A_47, %dma_start3A_48] : memref<100000x128xf32, #tpu.memory_space<hbm>> -> memref<100000x128xf32, #tpu.memory_space<hbm>>
    tpu.enqueue_indirect_dma source(%dma_start3A_49 : memref<100000x128xf32, #tpu.memory_space<hbm>>) target(%dma_start3A_43 : memref<50x128xf32, #tpu.memory_space<vmem>>) offsets(%dma_start3A_46 : memref<50xi32, #tpu.memory_space<vmem>>) semaphore(%arg11 : memref<!tpu.dma_semaphore, #tpu.memory_space<semaphore_mem>>)
    %scan3A = arith.constant 0 : i32
    %scan3A_50 = arith.constant 0 : i32
    %scan3A_51 = arith.constant 8 : i32
    %scan3A_52 = arith.addi %scan3A_50, %scan3A_51 : i32
    %scan3A_53 = arith.constant 1 : i32
    scf.for %scan3A_57 = %scan3A_50 to %scan3A_52 step %scan3A_53  : i32 {
      %mul3A_58 = arith.constant 4 : i32
      %mul3A_59 = arith.muli %scan3A_57, %mul3A_58 : i32
      %add3A_60 = arith.constant 0 : i32
      %add3A_61 = arith.addi %mul3A_59, %add3A_60 : i32
      %dma_wait3A = arith.constant 0 : i32
      %dma_wait3A_62 = arith.constant 0 : i32
      %dma_wait3A_63 = arith.constant 0 : i32
      %dma_wait3A_64 = tpu.memref_slice %arg6[%dma_wait3A, %dma_wait3A_62, %dma_wait3A_63] : memref<4x50x128xf32, #tpu.memory_space<vmem>> -> memref<1x50x128xf32, #tpu.memory_space<vmem>>
      %dma_wait3A_65 = tpu.memref_squeeze %dma_wait3A_64 : memref<1x50x128xf32, #tpu.memory_space<vmem>> -> memref<50x128xf32, #tpu.memory_space<vmem>>
      %dma_wait3A_66 = arith.constant 0 : i32
      %dma_wait3A_67 = tpu.memref_slice %arg5[%add3A_61, %dma_wait3A_66] : memref<32x50xi32, #tpu.memory_space<vmem>> -> memref<1x50xi32, #tpu.memory_space<vmem>>
      %dma_wait3A_68 = tpu.memref_squeeze %dma_wait3A_67 : memref<1x50xi32, #tpu.memory_space<vmem>> -> memref<50xi32, #tpu.memory_space<vmem>>
      %dma_wait3A_69 = arith.constant 0 : i32
      %dma_wait3A_70 = arith.constant 0 : i32
      %dma_wait3A_71 = tpu.memref_slice %arg2[%dma_wait3A_69, %dma_wait3A_70] : memref<100000x128xf32, #tpu.memory_space<hbm>> -> memref<100000x128xf32, #tpu.memory_space<hbm>>
      tpu.wait_indirect_dma semaphore(%arg8 : memref<!tpu.dma_semaphore, #tpu.memory_space<semaphore_mem>>) src(%dma_wait3A_71 : memref<100000x128xf32, #tpu.memory_space<hbm>>) dst(%dma_wait3A_65 : memref<50x128xf32, #tpu.memory_space<vmem>>)
      %add3A_72 = arith.constant 4 : i32
      %add3A_73 = arith.addi %add3A_61, %add3A_72 : i32
      %lt3A = arith.constant 32 : i32
      %lt3A_74 = arith.cmpi slt, %add3A_73, %lt3A : i32
      %convert_element_type3A = arith.extui %lt3A_74 : i1 to i32
      %cond3A = arith.constant 0 : i32
      %cond3A_75 = arith.cmpi ne, %convert_element_type3A, %cond3A : i32
      scf.if %cond3A_75 {
        %add3A_484 = arith.constant 4 : i32
        %add3A_485 = arith.addi %add3A_61, %add3A_484 : i32
        %dma_start3A_486 = arith.constant 0 : i32
        %dma_start3A_487 = arith.constant 0 : i32
        %dma_start3A_488 = arith.constant 0 : i32
        %dma_start3A_489 = tpu.memref_slice %arg6[%dma_start3A_486, %dma_start3A_487, %dma_start3A_488] : memref<4x50x128xf32, #tpu.memory_space<vmem>> -> memref<1x50x128xf32, #tpu.memory_space<vmem>>
        %dma_start3A_490 = tpu.memref_squeeze %dma_start3A_489 : memref<1x50x128xf32, #tpu.memory_space<vmem>> -> memref<50x128xf32, #tpu.memory_space<vmem>>
        %dma_start3A_491 = arith.constant 0 : i32
        %dma_start3A_492 = tpu.memref_slice %arg5[%add3A_485, %dma_start3A_491] : memref<32x50xi32, #tpu.memory_space<vmem>> -> memref<1x50xi32, #tpu.memory_space<vmem>>
        %dma_start3A_493 = tpu.memref_squeeze %dma_start3A_492 : memref<1x50xi32, #tpu.memory_space<vmem>> -> memref<50xi32, #tpu.memory_space<vmem>>
        %dma_start3A_494 = arith.constant 0 : i32
        %dma_start3A_495 = arith.constant 0 : i32
        %dma_start3A_496 = tpu.memref_slice %arg2[%dma_start3A_494, %dma_start3A_495] : memref<100000x128xf32, #tpu.memory_space<hbm>> -> memref<100000x128xf32, #tpu.memory_space<hbm>>
        tpu.enqueue_indirect_dma source(%dma_start3A_496 : memref<100000x128xf32, #tpu.memory_space<hbm>>) target(%dma_start3A_490 : memref<50x128xf32, #tpu.memory_space<vmem>>) offsets(%dma_start3A_493 : memref<50xi32, #tpu.memory_space<vmem>>) semaphore(%arg8 : memref<!tpu.dma_semaphore, #tpu.memory_space<semaphore_mem>>)
      } else {
      }
      %broadcast_in_dim3A = arith.constant 0.000000e+00 : f32
      %broadcast_in_dim3A_76 = vector.broadcast %broadcast_in_dim3A : f32 to vector<16xf32>
      %broadcast_in_dim3A_77 = arith.constant 0.000000e+00 : f32
      %broadcast_in_dim3A_78 = vector.broadcast %broadcast_in_dim3A_77 : f32 to vector<16xf32>
      %broadcast_in_dim3A_79 = arith.constant 0.000000e+00 : f32
      %broadcast_in_dim3A_80 = vector.broadcast %broadcast_in_dim3A_79 : f32 to vector<16xf32>
      %broadcast_in_dim3A_81 = arith.constant 0.000000e+00 : f32
      %broadcast_in_dim3A_82 = vector.broadcast %broadcast_in_dim3A_81 : f32 to vector<16xf32>
      %broadcast_in_dim3A_83 = arith.constant 0.000000e+00 : f32
      %broadcast_in_dim3A_84 = vector.broadcast %broadcast_in_dim3A_83 : f32 to vector<16xf32>
      %broadcast_in_dim3A_85 = arith.constant 0.000000e+00 : f32
      %broadcast_in_dim3A_86 = vector.broadcast %broadcast_in_dim3A_85 : f32 to vector<16xf32>
      %broadcast_in_dim3A_87 = arith.constant 0.000000e+00 : f32
      %broadcast_in_dim3A_88 = vector.broadcast %broadcast_in_dim3A_87 : f32 to vector<16xf32>
      %broadcast_in_dim3A_89 = arith.constant 0.000000e+00 : f32
      %broadcast_in_dim3A_90 = vector.broadcast %broadcast_in_dim3A_89 : f32 to vector<16xf32>
      %scan3A_91 = arith.constant 0 : i32
      %scan3A_92 = arith.constant 50 : i32
      %scan3A_93 = arith.addi %scan3A_91, %scan3A_92 : i32
      %scan3A_94 = arith.constant 1 : i32
      %scan3A_95:8 = scf.for %scan3A_484 = %scan3A_91 to %scan3A_93 step %scan3A_94 iter_args(%scan3A_485 = %broadcast_in_dim3A_76, %scan3A_486 = %broadcast_in_dim3A_78, %scan3A_487 = %broadcast_in_dim3A_80, %scan3A_488 = %broadcast_in_dim3A_82, %scan3A_489 = %broadcast_in_dim3A_84, %scan3A_490 = %broadcast_in_dim3A_86, %scan3A_491 = %broadcast_in_dim3A_88, %scan3A_492 = %broadcast_in_dim3A_90) -> (vector<16xf32>, vector<16xf32>, vector<16xf32>, vector<16xf32>, vector<16xf32>, vector<16xf32>, vector<16xf32>, vector<16xf32>)  : i32 {
        %get3A = arith.constant 0 : i32
        %get3A_493 = arith.index_cast %get3A : i32 to index
        %get3A_494 = arith.index_cast %scan3A_484 : i32 to index
        %get3A_495 = arith.constant 0 : index
        %get3A_496 = tpu.vector_load %arg6[%get3A_493, %get3A_494, %get3A_495] {strides = array<i32>} : memref<4x50x128xf32, #tpu.memory_space<vmem>>, vector<1x1x16xf32>,
        %get3A_497 = vector.shape_cast %get3A_496 : vector<1x1x16xf32> to vector<16xf32>
        %add3A_498 = arith.addf %scan3A_485, %get3A_497 : vector<16xf32>
        %get3A_499 = arith.constant 0 : i32
        %get3A_500 = arith.index_cast %get3A_499 : i32 to index
        %get3A_501 = arith.index_cast %scan3A_484 : i32 to index
        %get3A_502 = arith.constant 16 : index
        %get3A_503 = tpu.vector_load %arg6[%get3A_500, %get3A_501, %get3A_502] {strides = array<i32>} : memref<4x50x128xf32, #tpu.memory_space<vmem>>, vector<1x1x16xf32>,
        %get3A_504 = vector.shape_cast %get3A_503 : vector<1x1x16xf32> to vector<16xf32>
        %add3A_505 = arith.addf %scan3A_486, %get3A_504 : vector<16xf32>
        %get3A_506 = arith.constant 0 : i32
        %get3A_507 = arith.index_cast %get3A_506 : i32 to index
        %get3A_508 = arith.index_cast %scan3A_484 : i32 to index
        %get3A_509 = arith.constant 32 : index
        %get3A_510 = tpu.vector_load %arg6[%get3A_507, %get3A_508, %get3A_509] {strides = array<i32>} : memref<4x50x128xf32, #tpu.memory_space<vmem>>, vector<1x1x16xf32>,
        %get3A_511 = vector.shape_cast %get3A_510 : vector<1x1x16xf32> to vector<16xf32>
        %add3A_512 = arith.addf %scan3A_487, %get3A_511 : vector<16xf32>
        %get3A_513 = arith.constant 0 : i32
        %get3A_514 = arith.index_cast %get3A_513 : i32 to index
        %get3A_515 = arith.index_cast %scan3A_484 : i32 to index
        %get3A_516 = arith.constant 48 : index
        %get3A_517 = tpu.vector_load %arg6[%get3A_514, %get3A_515, %get3A_516] {strides = array<i32>} : memref<4x50x128xf32, #tpu.memory_space<vmem>>, vector<1x1x16xf32>,
        %get3A_518 = vector.shape_cast %get3A_517 : vector<1x1x16xf32> to vector<16xf32>
        %add3A_519 = arith.addf %scan3A_488, %get3A_518 : vector<16xf32>
        %get3A_520 = arith.constant 0 : i32
        %get3A_521 = arith.index_cast %get3A_520 : i32 to index
        %get3A_522 = arith.index_cast %scan3A_484 : i32 to index
        %get3A_523 = arith.constant 64 : index
        %get3A_524 = tpu.vector_load %arg6[%get3A_521, %get3A_522, %get3A_523] {strides = array<i32>} : memref<4x50x128xf32, #tpu.memory_space<vmem>>, vector<1x1x16xf32>,
        %get3A_525 = vector.shape_cast %get3A_524 : vector<1x1x16xf32> to vector<16xf32>
        %add3A_526 = arith.addf %scan3A_489, %get3A_525 : vector<16xf32>
        %get3A_527 = arith.constant 0 : i32
        %get3A_528 = arith.index_cast %get3A_527 : i32 to index
        %get3A_529 = arith.index_cast %scan3A_484 : i32 to index
        %get3A_530 = arith.constant 80 : index
        %get3A_531 = tpu.vector_load %arg6[%get3A_528, %get3A_529, %get3A_530] {strides = array<i32>} : memref<4x50x128xf32, #tpu.memory_space<vmem>>, vector<1x1x16xf32>,
        %get3A_532 = vector.shape_cast %get3A_531 : vector<1x1x16xf32> to vector<16xf32>
        %add3A_533 = arith.addf %scan3A_490, %get3A_532 : vector<16xf32>
        %get3A_534 = arith.constant 0 : i32
        %get3A_535 = arith.index_cast %get3A_534 : i32 to index
        %get3A_536 = arith.index_cast %scan3A_484 : i32 to index
        %get3A_537 = arith.constant 96 : index
        %get3A_538 = tpu.vector_load %arg6[%get3A_535, %get3A_536, %get3A_537] {strides = array<i32>} : memref<4x50x128xf32, #tpu.memory_space<vmem>>, vector<1x1x16xf32>,
        %get3A_539 = vector.shape_cast %get3A_538 : vector<1x1x16xf32> to vector<16xf32>
        %add3A_540 = arith.addf %scan3A_491, %get3A_539 : vector<16xf32>
        %get3A_541 = arith.constant 0 : i32
        %get3A_542 = arith.index_cast %get3A_541 : i32 to index
        %get3A_543 = arith.index_cast %scan3A_484 : i32 to index
        %get3A_544 = arith.constant 112 : index
        %get3A_545 = tpu.vector_load %arg6[%get3A_542, %get3A_543, %get3A_544] {strides = array<i32>} : memref<4x50x128xf32, #tpu.memory_space<vmem>>, vector<1x1x16xf32>,
        %get3A_546 = vector.shape_cast %get3A_545 : vector<1x1x16xf32> to vector<16xf32>
        %add3A_547 = arith.addf %scan3A_492, %get3A_546 : vector<16xf32>
        scf.yield %add3A_498, %add3A_505, %add3A_512, %add3A_519, %add3A_526, %add3A_533, %add3A_540, %add3A_547 : vector<16xf32>, vector<16xf32>, vector<16xf32>, vector<16xf32>, vector<16xf32>, vector<16xf32>, vector<16xf32>, vector<16xf32>
      }
      %scan3A_96 = arith.constant 50 : i32
      %mul3A_97 = arith.constant 2.000000e-02 : f32
      %mul3A_98 = vector.broadcast %mul3A_97 : f32 to vector<16xf32>
      %mul3A_99 = arith.mulf %scan3A_95#0, %mul3A_98 : vector<16xf32>
      %swap3A = arith.index_cast %add3A_61 : i32 to index
      %swap3A_100 = arith.constant 0 : index
      %swap3A_101 = tpu.vector_load %arg7[%swap3A, %swap3A_100] {strides = array<i32>} : memref<32x128xf32, #tpu.memory_space<vmem>>, vector<1x16xf32>,
      %swap3A_102 = vector.shape_cast %swap3A_101 : vector<1x16xf32> to vector<16xf32>
      %swap3A_103 = vector.shape_cast %mul3A_99 : vector<16xf32> to vector<1x16xf32>
      tpu.vector_store %arg7[%swap3A, %swap3A_100], %swap3A_103 {strides = array<i32>} : memref<32x128xf32, #tpu.memory_space<vmem>>, vector<1x16xf32>,
      %mul3A_104 = arith.constant 2.000000e-02 : f32
      %mul3A_105 = vector.broadcast %mul3A_104 : f32 to vector<16xf32>
      %mul3A_106 = arith.mulf %scan3A_95#1, %mul3A_105 : vector<16xf32>
      %swap3A_107 = arith.index_cast %add3A_61 : i32 to index
      %swap3A_108 = arith.constant 16 : index
      %swap3A_109 = tpu.vector_load %arg7[%swap3A_107, %swap3A_108] {strides = array<i32>} : memref<32x128xf32, #tpu.memory_space<vmem>>, vector<1x16xf32>,
      %swap3A_110 = vector.shape_cast %swap3A_109 : vector<1x16xf32> to vector<16xf32>
      %swap3A_111 = vector.shape_cast %mul3A_106 : vector<16xf32> to vector<1x16xf32>
      tpu.vector_store %arg7[%swap3A_107, %swap3A_108], %swap3A_111 {strides = array<i32>} : memref<32x128xf32, #tpu.memory_space<vmem>>, vector<1x16xf32>,
      %mul3A_112 = arith.constant 2.000000e-02 : f32
      %mul3A_113 = vector.broadcast %mul3A_112 : f32 to vector<16xf32>
      %mul3A_114 = arith.mulf %scan3A_95#2, %mul3A_113 : vector<16xf32>
      %swap3A_115 = arith.index_cast %add3A_61 : i32 to index
      %swap3A_116 = arith.constant 32 : index
      %swap3A_117 = tpu.vector_load %arg7[%swap3A_115, %swap3A_116] {strides = array<i32>} : memref<32x128xf32, #tpu.memory_space<vmem>>, vector<1x16xf32>,
      %swap3A_118 = vector.shape_cast %swap3A_117 : vector<1x16xf32> to vector<16xf32>
      %swap3A_119 = vector.shape_cast %mul3A_114 : vector<16xf32> to vector<1x16xf32>
      tpu.vector_store %arg7[%swap3A_115, %swap3A_116], %swap3A_119 {strides = array<i32>} : memref<32x128xf32, #tpu.memory_space<vmem>>, vector<1x16xf32>,
      %mul3A_120 = arith.constant 2.000000e-02 : f32
      %mul3A_121 = vector.broadcast %mul3A_120 : f32 to vector<16xf32>
      %mul3A_122 = arith.mulf %scan3A_95#3, %mul3A_121 : vector<16xf32>
      %swap3A_123 = arith.index_cast %add3A_61 : i32 to index
      %swap3A_124 = arith.constant 48 : index
      %swap3A_125 = tpu.vector_load %arg7[%swap3A_123, %swap3A_124] {strides = array<i32>} : memref<32x128xf32, #tpu.memory_space<vmem>>, vector<1x16xf32>,
      %swap3A_126 = vector.shape_cast %swap3A_125 : vector<1x16xf32> to vector<16xf32>
      %swap3A_127 = vector.shape_cast %mul3A_122 : vector<16xf32> to vector<1x16xf32>
      tpu.vector_store %arg7[%swap3A_123, %swap3A_124], %swap3A_127 {strides = array<i32>} : memref<32x128xf32, #tpu.memory_space<vmem>>, vector<1x16xf32>,
      %mul3A_128 = arith.constant 2.000000e-02 : f32
      %mul3A_129 = vector.broadcast %mul3A_128 : f32 to vector<16xf32>
      %mul3A_130 = arith.mulf %scan3A_95#4, %mul3A_129 : vector<16xf32>
      %swap3A_131 = arith.index_cast %add3A_61 : i32 to index
      %swap3A_132 = arith.constant 64 : index
      %swap3A_133 = tpu.vector_load %arg7[%swap3A_131, %swap3A_132] {strides = array<i32>} : memref<32x128xf32, #tpu.memory_space<vmem>>, vector<1x16xf32>,
      %swap3A_134 = vector.shape_cast %swap3A_133 : vector<1x16xf32> to vector<16xf32>
      %swap3A_135 = vector.shape_cast %mul3A_130 : vector<16xf32> to vector<1x16xf32>
      tpu.vector_store %arg7[%swap3A_131, %swap3A_132], %swap3A_135 {strides = array<i32>} : memref<32x128xf32, #tpu.memory_space<vmem>>, vector<1x16xf32>,
      %mul3A_136 = arith.constant 2.000000e-02 : f32
      %mul3A_137 = vector.broadcast %mul3A_136 : f32 to vector<16xf32>
      %mul3A_138 = arith.mulf %scan3A_95#5, %mul3A_137 : vector<16xf32>
      %swap3A_139 = arith.index_cast %add3A_61 : i32 to index
      %swap3A_140 = arith.constant 80 : index
      %swap3A_141 = tpu.vector_load %arg7[%swap3A_139, %swap3A_140] {strides = array<i32>} : memref<32x128xf32, #tpu.memory_space<vmem>>, vector<1x16xf32>,
      %swap3A_142 = vector.shape_cast %swap3A_141 : vector<1x16xf32> to vector<16xf32>
      %swap3A_143 = vector.shape_cast %mul3A_138 : vector<16xf32> to vector<1x16xf32>
      tpu.vector_store %arg7[%swap3A_139, %swap3A_140], %swap3A_143 {strides = array<i32>} : memref<32x128xf32, #tpu.memory_space<vmem>>, vector<1x16xf32>,
      %mul3A_144 = arith.constant 2.000000e-02 : f32
      %mul3A_145 = vector.broadcast %mul3A_144 : f32 to vector<16xf32>
      %mul3A_146 = arith.mulf %scan3A_95#6, %mul3A_145 : vector<16xf32>
      %swap3A_147 = arith.index_cast %add3A_61 : i32 to index
      %swap3A_148 = arith.constant 96 : index
      %swap3A_149 = tpu.vector_load %arg7[%swap3A_147, %swap3A_148] {strides = array<i32>} : memref<32x128xf32, #tpu.memory_space<vmem>>, vector<1x16xf32>,
      %swap3A_150 = vector.shape_cast %swap3A_149 : vector<1x16xf32> to vector<16xf32>
      %swap3A_151 = vector.shape_cast %mul3A_146 : vector<16xf32> to vector<1x16xf32>
      tpu.vector_store %arg7[%swap3A_147, %swap3A_148], %swap3A_151 {strides = array<i32>} : memref<32x128xf32, #tpu.memory_space<vmem>>, vector<1x16xf32>,
      %mul3A_152 = arith.constant 2.000000e-02 : f32
      %mul3A_153 = vector.broadcast %mul3A_152 : f32 to vector<16xf32>
      %mul3A_154 = arith.mulf %scan3A_95#7, %mul3A_153 : vector<16xf32>
      %swap3A_155 = arith.index_cast %add3A_61 : i32 to index
      %swap3A_156 = arith.constant 112 : index
      %swap3A_157 = tpu.vector_load %arg7[%swap3A_155, %swap3A_156] {strides = array<i32>} : memref<32x128xf32, #tpu.memory_space<vmem>>, vector<1x16xf32>,
      %swap3A_158 = vector.shape_cast %swap3A_157 : vector<1x16xf32> to vector<16xf32>
      %swap3A_159 = vector.shape_cast %mul3A_154 : vector<16xf32> to vector<1x16xf32>
      tpu.vector_store %arg7[%swap3A_155, %swap3A_156], %swap3A_159 {strides = array<i32>} : memref<32x128xf32, #tpu.memory_space<vmem>>, vector<1x16xf32>,
      %mul3A_160 = arith.constant 4 : i32
      %mul3A_161 = arith.muli %scan3A_57, %mul3A_160 : i32
      %add3A_162 = arith.constant 1 : i32
      %add3A_163 = arith.addi %mul3A_161, %add3A_162 : i32
      %dma_wait3A_164 = arith.constant 1 : i32
      %dma_wait3A_165 = arith.constant 0 : i32
      %dma_wait3A_166 = arith.constant 0 : i32
      %dma_wait3A_167 = tpu.memref_slice %arg6[%dma_wait3A_164, %dma_wait3A_165, %dma_wait3A_166] : memref<4x50x128xf32, #tpu.memory_space<vmem>> -> memref<1x50x128xf32, #tpu.memory_space<vmem>>
      %dma_wait3A_168 = tpu.memref_squeeze %dma_wait3A_167 : memref<1x50x128xf32, #tpu.memory_space<vmem>> -> memref<50x128xf32, #tpu.memory_space<vmem>>
      %dma_wait3A_169 = arith.constant 0 : i32
      %dma_wait3A_170 = tpu.memref_slice %arg5[%add3A_163, %dma_wait3A_169] : memref<32x50xi32, #tpu.memory_space<vmem>> -> memref<1x50xi32, #tpu.memory_space<vmem>>
      %dma_wait3A_171 = tpu.memref_squeeze %dma_wait3A_170 : memref<1x50xi32, #tpu.memory_space<vmem>> -> memref<50xi32, #tpu.memory_space<vmem>>
      %dma_wait3A_172 = arith.constant 0 : i32
      %dma_wait3A_173 = arith.constant 0 : i32
      %dma_wait3A_174 = tpu.memref_slice %arg2[%dma_wait3A_172, %dma_wait3A_173] : memref<100000x128xf32, #tpu.memory_space<hbm>> -> memref<100000x128xf32, #tpu.memory_space<hbm>>
      tpu.wait_indirect_dma semaphore(%arg9 : memref<!tpu.dma_semaphore, #tpu.memory_space<semaphore_mem>>) src(%dma_wait3A_174 : memref<100000x128xf32, #tpu.memory_space<hbm>>) dst(%dma_wait3A_168 : memref<50x128xf32, #tpu.memory_space<vmem>>)
      %add3A_175 = arith.constant 4 : i32
      %add3A_176 = arith.addi %add3A_163, %add3A_175 : i32
      %lt3A_177 = arith.constant 32 : i32
      %lt3A_178 = arith.cmpi slt, %add3A_176, %lt3A_177 : i32
      %convert_element_type3A_179 = arith.extui %lt3A_178 : i1 to i32
      %cond3A_180 = arith.constant 0 : i32
      %cond3A_181 = arith.cmpi ne, %convert_element_type3A_179, %cond3A_180 : i32
      scf.if %cond3A_181 {
        %add3A_484 = arith.constant 4 : i32
        %add3A_485 = arith.addi %add3A_163, %add3A_484 : i32
        %dma_start3A_486 = arith.constant 1 : i32
        %dma_start3A_487 = arith.constant 0 : i32
        %dma_start3A_488 = arith.constant 0 : i32
        %dma_start3A_489 = tpu.memref_slice %arg6[%dma_start3A_486, %dma_start3A_487, %dma_start3A_488] : memref<4x50x128xf32, #tpu.memory_space<vmem>> -> memref<1x50x128xf32, #tpu.memory_space<vmem>>
        %dma_start3A_490 = tpu.memref_squeeze %dma_start3A_489 : memref<1x50x128xf32, #tpu.memory_space<vmem>> -> memref<50x128xf32, #tpu.memory_space<vmem>>
        %dma_start3A_491 = arith.constant 0 : i32
        %dma_start3A_492 = tpu.memref_slice %arg5[%add3A_485, %dma_start3A_491] : memref<32x50xi32, #tpu.memory_space<vmem>> -> memref<1x50xi32, #tpu.memory_space<vmem>>
        %dma_start3A_493 = tpu.memref_squeeze %dma_start3A_492 : memref<1x50xi32, #tpu.memory_space<vmem>> -> memref<50xi32, #tpu.memory_space<vmem>>
        %dma_start3A_494 = arith.constant 0 : i32
        %dma_start3A_495 = arith.constant 0 : i32
        %dma_start3A_496 = tpu.memref_slice %arg2[%dma_start3A_494, %dma_start3A_495] : memref<100000x128xf32, #tpu.memory_space<hbm>> -> memref<100000x128xf32, #tpu.memory_space<hbm>>
        tpu.enqueue_indirect_dma source(%dma_start3A_496 : memref<100000x128xf32, #tpu.memory_space<hbm>>) target(%dma_start3A_490 : memref<50x128xf32, #tpu.memory_space<vmem>>) offsets(%dma_start3A_493 : memref<50xi32, #tpu.memory_space<vmem>>) semaphore(%arg9 : memref<!tpu.dma_semaphore, #tpu.memory_space<semaphore_mem>>)
      } else {
      }
      %broadcast_in_dim3A_182 = arith.constant 0.000000e+00 : f32
      %broadcast_in_dim3A_183 = vector.broadcast %broadcast_in_dim3A_182 : f32 to vector<16xf32>
      %broadcast_in_dim3A_184 = arith.constant 0.000000e+00 : f32
      %broadcast_in_dim3A_185 = vector.broadcast %broadcast_in_dim3A_184 : f32 to vector<16xf32>
      %broadcast_in_dim3A_186 = arith.constant 0.000000e+00 : f32
      %broadcast_in_dim3A_187 = vector.broadcast %broadcast_in_dim3A_186 : f32 to vector<16xf32>
      %broadcast_in_dim3A_188 = arith.constant 0.000000e+00 : f32
      %broadcast_in_dim3A_189 = vector.broadcast %broadcast_in_dim3A_188 : f32 to vector<16xf32>
      %broadcast_in_dim3A_190 = arith.constant 0.000000e+00 : f32
      %broadcast_in_dim3A_191 = vector.broadcast %broadcast_in_dim3A_190 : f32 to vector<16xf32>
      %broadcast_in_dim3A_192 = arith.constant 0.000000e+00 : f32
      %broadcast_in_dim3A_193 = vector.broadcast %broadcast_in_dim3A_192 : f32 to vector<16xf32>
      %broadcast_in_dim3A_194 = arith.constant 0.000000e+00 : f32
      %broadcast_in_dim3A_195 = vector.broadcast %broadcast_in_dim3A_194 : f32 to vector<16xf32>
      %broadcast_in_dim3A_196 = arith.constant 0.000000e+00 : f32
      %broadcast_in_dim3A_197 = vector.broadcast %broadcast_in_dim3A_196 : f32 to vector<16xf32>
      %scan3A_198 = arith.constant 0 : i32
      %scan3A_199 = arith.constant 50 : i32
      %scan3A_200 = arith.addi %scan3A_198, %scan3A_199 : i32
      %scan3A_201 = arith.constant 1 : i32
      %scan3A_202:8 = scf.for %scan3A_484 = %scan3A_198 to %scan3A_200 step %scan3A_201 iter_args(%scan3A_485 = %broadcast_in_dim3A_183, %scan3A_486 = %broadcast_in_dim3A_185, %scan3A_487 = %broadcast_in_dim3A_187, %scan3A_488 = %broadcast_in_dim3A_189, %scan3A_489 = %broadcast_in_dim3A_191, %scan3A_490 = %broadcast_in_dim3A_193, %scan3A_491 = %broadcast_in_dim3A_195, %scan3A_492 = %broadcast_in_dim3A_197) -> (vector<16xf32>, vector<16xf32>, vector<16xf32>, vector<16xf32>, vector<16xf32>, vector<16xf32>, vector<16xf32>, vector<16xf32>)  : i32 {
        %get3A = arith.constant 1 : i32
        %get3A_493 = arith.index_cast %get3A : i32 to index
        %get3A_494 = arith.index_cast %scan3A_484 : i32 to index
        %get3A_495 = arith.constant 0 : index
        %get3A_496 = tpu.vector_load %arg6[%get3A_493, %get3A_494, %get3A_495] {strides = array<i32>} : memref<4x50x128xf32, #tpu.memory_space<vmem>>, vector<1x1x16xf32>,
        %get3A_497 = vector.shape_cast %get3A_496 : vector<1x1x16xf32> to vector<16xf32>
        %add3A_498 = arith.addf %scan3A_485, %get3A_497 : vector<16xf32>
        %get3A_499 = arith.constant 1 : i32
        %get3A_500 = arith.index_cast %get3A_499 : i32 to index
        %get3A_501 = arith.index_cast %scan3A_484 : i32 to index
        %get3A_502 = arith.constant 16 : index
        %get3A_503 = tpu.vector_load %arg6[%get3A_500, %get3A_501, %get3A_502] {strides = array<i32>} : memref<4x50x128xf32, #tpu.memory_space<vmem>>, vector<1x1x16xf32>,
        %get3A_504 = vector.shape_cast %get3A_503 : vector<1x1x16xf32> to vector<16xf32>
        %add3A_505 = arith.addf %scan3A_486, %get3A_504 : vector<16xf32>
        %get3A_506 = arith.constant 1 : i32
        %get3A_507 = arith.index_cast %get3A_506 : i32 to index
        %get3A_508 = arith.index_cast %scan3A_484 : i32 to index
        %get3A_509 = arith.constant 32 : index
        %get3A_510 = tpu.vector_load %arg6[%get3A_507, %get3A_508, %get3A_509] {strides = array<i32>} : memref<4x50x128xf32, #tpu.memory_space<vmem>>, vector<1x1x16xf32>,
        %get3A_511 = vector.shape_cast %get3A_510 : vector<1x1x16xf32> to vector<16xf32>
        %add3A_512 = arith.addf %scan3A_487, %get3A_511 : vector<16xf32>
        %get3A_513 = arith.constant 1 : i32
        %get3A_514 = arith.index_cast %get3A_513 : i32 to index
        %get3A_515 = arith.index_cast %scan3A_484 : i32 to index
        %get3A_516 = arith.constant 48 : index
        %get3A_517 = tpu.vector_load %arg6[%get3A_514, %get3A_515, %get3A_516] {strides = array<i32>} : memref<4x50x128xf32, #tpu.memory_space<vmem>>, vector<1x1x16xf32>,
        %get3A_518 = vector.shape_cast %get3A_517 : vector<1x1x16xf32> to vector<16xf32>
        %add3A_519 = arith.addf %scan3A_488, %get3A_518 : vector<16xf32>
        %get3A_520 = arith.constant 1 : i32
        %get3A_521 = arith.index_cast %get3A_520 : i32 to index
        %get3A_522 = arith.index_cast %scan3A_484 : i32 to index
        %get3A_523 = arith.constant 64 : index
        %get3A_524 = tpu.vector_load %arg6[%get3A_521, %get3A_522, %get3A_523] {strides = array<i32>} : memref<4x50x128xf32, #tpu.memory_space<vmem>>, vector<1x1x16xf32>,
        %get3A_525 = vector.shape_cast %get3A_524 : vector<1x1x16xf32> to vector<16xf32>
        %add3A_526 = arith.addf %scan3A_489, %get3A_525 : vector<16xf32>
        %get3A_527 = arith.constant 1 : i32
        %get3A_528 = arith.index_cast %get3A_527 : i32 to index
        %get3A_529 = arith.index_cast %scan3A_484 : i32 to index
        %get3A_530 = arith.constant 80 : index
        %get3A_531 = tpu.vector_load %arg6[%get3A_528, %get3A_529, %get3A_530] {strides = array<i32>} : memref<4x50x128xf32, #tpu.memory_space<vmem>>, vector<1x1x16xf32>,
        %get3A_532 = vector.shape_cast %get3A_531 : vector<1x1x16xf32> to vector<16xf32>
        %add3A_533 = arith.addf %scan3A_490, %get3A_532 : vector<16xf32>
        %get3A_534 = arith.constant 1 : i32
        %get3A_535 = arith.index_cast %get3A_534 : i32 to index
        %get3A_536 = arith.index_cast %scan3A_484 : i32 to index
        %get3A_537 = arith.constant 96 : index
        %get3A_538 = tpu.vector_load %arg6[%get3A_535, %get3A_536, %get3A_537] {strides = array<i32>} : memref<4x50x128xf32, #tpu.memory_space<vmem>>, vector<1x1x16xf32>,
        %get3A_539 = vector.shape_cast %get3A_538 : vector<1x1x16xf32> to vector<16xf32>
        %add3A_540 = arith.addf %scan3A_491, %get3A_539 : vector<16xf32>
        %get3A_541 = arith.constant 1 : i32
        %get3A_542 = arith.index_cast %get3A_541 : i32 to index
        %get3A_543 = arith.index_cast %scan3A_484 : i32 to index
        %get3A_544 = arith.constant 112 : index
        %get3A_545 = tpu.vector_load %arg6[%get3A_542, %get3A_543, %get3A_544] {strides = array<i32>} : memref<4x50x128xf32, #tpu.memory_space<vmem>>, vector<1x1x16xf32>,
        %get3A_546 = vector.shape_cast %get3A_545 : vector<1x1x16xf32> to vector<16xf32>
        %add3A_547 = arith.addf %scan3A_492, %get3A_546 : vector<16xf32>
        scf.yield %add3A_498, %add3A_505, %add3A_512, %add3A_519, %add3A_526, %add3A_533, %add3A_540, %add3A_547 : vector<16xf32>, vector<16xf32>, vector<16xf32>, vector<16xf32>, vector<16xf32>, vector<16xf32>, vector<16xf32>, vector<16xf32>
      }
      %scan3A_203 = arith.constant 50 : i32
      %mul3A_204 = arith.constant 2.000000e-02 : f32
      %mul3A_205 = vector.broadcast %mul3A_204 : f32 to vector<16xf32>
      %mul3A_206 = arith.mulf %scan3A_202#0, %mul3A_205 : vector<16xf32>
      %swap3A_207 = arith.index_cast %add3A_163 : i32 to index
      %swap3A_208 = arith.constant 0 : index
      %swap3A_209 = tpu.vector_load %arg7[%swap3A_207, %swap3A_208] {strides = array<i32>} : memref<32x128xf32, #tpu.memory_space<vmem>>, vector<1x16xf32>,
      %swap3A_210 = vector.shape_cast %swap3A_209 : vector<1x16xf32> to vector<16xf32>
      %swap3A_211 = vector.shape_cast %mul3A_206 : vector<16xf32> to vector<1x16xf32>
      tpu.vector_store %arg7[%swap3A_207, %swap3A_208], %swap3A_211 {strides = array<i32>} : memref<32x128xf32, #tpu.memory_space<vmem>>, vector<1x16xf32>,
      %mul3A_212 = arith.constant 2.000000e-02 : f32
      %mul3A_213 = vector.broadcast %mul3A_212 : f32 to vector<16xf32>
      %mul3A_214 = arith.mulf %scan3A_202#1, %mul3A_213 : vector<16xf32>
      %swap3A_215 = arith.index_cast %add3A_163 : i32 to index
      %swap3A_216 = arith.constant 16 : index
      %swap3A_217 = tpu.vector_load %arg7[%swap3A_215, %swap3A_216] {strides = array<i32>} : memref<32x128xf32, #tpu.memory_space<vmem>>, vector<1x16xf32>,
      %swap3A_218 = vector.shape_cast %swap3A_217 : vector<1x16xf32> to vector<16xf32>
      %swap3A_219 = vector.shape_cast %mul3A_214 : vector<16xf32> to vector<1x16xf32>
      tpu.vector_store %arg7[%swap3A_215, %swap3A_216], %swap3A_219 {strides = array<i32>} : memref<32x128xf32, #tpu.memory_space<vmem>>, vector<1x16xf32>,
      %mul3A_220 = arith.constant 2.000000e-02 : f32
      %mul3A_221 = vector.broadcast %mul3A_220 : f32 to vector<16xf32>
      %mul3A_222 = arith.mulf %scan3A_202#2, %mul3A_221 : vector<16xf32>
      %swap3A_223 = arith.index_cast %add3A_163 : i32 to index
      %swap3A_224 = arith.constant 32 : index
      %swap3A_225 = tpu.vector_load %arg7[%swap3A_223, %swap3A_224] {strides = array<i32>} : memref<32x128xf32, #tpu.memory_space<vmem>>, vector<1x16xf32>,
      %swap3A_226 = vector.shape_cast %swap3A_225 : vector<1x16xf32> to vector<16xf32>
      %swap3A_227 = vector.shape_cast %mul3A_222 : vector<16xf32> to vector<1x16xf32>
      tpu.vector_store %arg7[%swap3A_223, %swap3A_224], %swap3A_227 {strides = array<i32>} : memref<32x128xf32, #tpu.memory_space<vmem>>, vector<1x16xf32>,
      %mul3A_228 = arith.constant 2.000000e-02 : f32
      %mul3A_229 = vector.broadcast %mul3A_228 : f32 to vector<16xf32>
      %mul3A_230 = arith.mulf %scan3A_202#3, %mul3A_229 : vector<16xf32>
      %swap3A_231 = arith.index_cast %add3A_163 : i32 to index
      %swap3A_232 = arith.constant 48 : index
      %swap3A_233 = tpu.vector_load %arg7[%swap3A_231, %swap3A_232] {strides = array<i32>} : memref<32x128xf32, #tpu.memory_space<vmem>>, vector<1x16xf32>,
      %swap3A_234 = vector.shape_cast %swap3A_233 : vector<1x16xf32> to vector<16xf32>
      %swap3A_235 = vector.shape_cast %mul3A_230 : vector<16xf32> to vector<1x16xf32>
      tpu.vector_store %arg7[%swap3A_231, %swap3A_232], %swap3A_235 {strides = array<i32>} : memref<32x128xf32, #tpu.memory_space<vmem>>, vector<1x16xf32>,
      %mul3A_236 = arith.constant 2.000000e-02 : f32
      %mul3A_237 = vector.broadcast %mul3A_236 : f32 to vector<16xf32>
      %mul3A_238 = arith.mulf %scan3A_202#4, %mul3A_237 : vector<16xf32>
      %swap3A_239 = arith.index_cast %add3A_163 : i32 to index
      %swap3A_240 = arith.constant 64 : index
      %swap3A_241 = tpu.vector_load %arg7[%swap3A_239, %swap3A_240] {strides = array<i32>} : memref<32x128xf32, #tpu.memory_space<vmem>>, vector<1x16xf32>,
      %swap3A_242 = vector.shape_cast %swap3A_241 : vector<1x16xf32> to vector<16xf32>
      %swap3A_243 = vector.shape_cast %mul3A_238 : vector<16xf32> to vector<1x16xf32>
      tpu.vector_store %arg7[%swap3A_239, %swap3A_240], %swap3A_243 {strides = array<i32>} : memref<32x128xf32, #tpu.memory_space<vmem>>, vector<1x16xf32>,
      %mul3A_244 = arith.constant 2.000000e-02 : f32
      %mul3A_245 = vector.broadcast %mul3A_244 : f32 to vector<16xf32>
      %mul3A_246 = arith.mulf %scan3A_202#5, %mul3A_245 : vector<16xf32>
      %swap3A_247 = arith.index_cast %add3A_163 : i32 to index
      %swap3A_248 = arith.constant 80 : index
      %swap3A_249 = tpu.vector_load %arg7[%swap3A_247, %swap3A_248] {strides = array<i32>} : memref<32x128xf32, #tpu.memory_space<vmem>>, vector<1x16xf32>,
      %swap3A_250 = vector.shape_cast %swap3A_249 : vector<1x16xf32> to vector<16xf32>
      %swap3A_251 = vector.shape_cast %mul3A_246 : vector<16xf32> to vector<1x16xf32>
      tpu.vector_store %arg7[%swap3A_247, %swap3A_248], %swap3A_251 {strides = array<i32>} : memref<32x128xf32, #tpu.memory_space<vmem>>, vector<1x16xf32>,
      %mul3A_252 = arith.constant 2.000000e-02 : f32
      %mul3A_253 = vector.broadcast %mul3A_252 : f32 to vector<16xf32>
      %mul3A_254 = arith.mulf %scan3A_202#6, %mul3A_253 : vector<16xf32>
      %swap3A_255 = arith.index_cast %add3A_163 : i32 to index
      %swap3A_256 = arith.constant 96 : index
      %swap3A_257 = tpu.vector_load %arg7[%swap3A_255, %swap3A_256] {strides = array<i32>} : memref<32x128xf32, #tpu.memory_space<vmem>>, vector<1x16xf32>,
      %swap3A_258 = vector.shape_cast %swap3A_257 : vector<1x16xf32> to vector<16xf32>
      %swap3A_259 = vector.shape_cast %mul3A_254 : vector<16xf32> to vector<1x16xf32>
      tpu.vector_store %arg7[%swap3A_255, %swap3A_256], %swap3A_259 {strides = array<i32>} : memref<32x128xf32, #tpu.memory_space<vmem>>, vector<1x16xf32>,
      %mul3A_260 = arith.constant 2.000000e-02 : f32
      %mul3A_261 = vector.broadcast %mul3A_260 : f32 to vector<16xf32>
      %mul3A_262 = arith.mulf %scan3A_202#7, %mul3A_261 : vector<16xf32>
      %swap3A_263 = arith.index_cast %add3A_163 : i32 to index
      %swap3A_264 = arith.constant 112 : index
      %swap3A_265 = tpu.vector_load %arg7[%swap3A_263, %swap3A_264] {strides = array<i32>} : memref<32x128xf32, #tpu.memory_space<vmem>>, vector<1x16xf32>,
      %swap3A_266 = vector.shape_cast %swap3A_265 : vector<1x16xf32> to vector<16xf32>
      %swap3A_267 = vector.shape_cast %mul3A_262 : vector<16xf32> to vector<1x16xf32>
      tpu.vector_store %arg7[%swap3A_263, %swap3A_264], %swap3A_267 {strides = array<i32>} : memref<32x128xf32, #tpu.memory_space<vmem>>, vector<1x16xf32>,
      %mul3A_268 = arith.constant 4 : i32
      %mul3A_269 = arith.muli %scan3A_57, %mul3A_268 : i32
      %add3A_270 = arith.constant 2 : i32
      %add3A_271 = arith.addi %mul3A_269, %add3A_270 : i32
      %dma_wait3A_272 = arith.constant 2 : i32
      %dma_wait3A_273 = arith.constant 0 : i32
      %dma_wait3A_274 = arith.constant 0 : i32
      %dma_wait3A_275 = tpu.memref_slice %arg6[%dma_wait3A_272, %dma_wait3A_273, %dma_wait3A_274] : memref<4x50x128xf32, #tpu.memory_space<vmem>> -> memref<1x50x128xf32, #tpu.memory_space<vmem>>
      %dma_wait3A_276 = tpu.memref_squeeze %dma_wait3A_275 : memref<1x50x128xf32, #tpu.memory_space<vmem>> -> memref<50x128xf32, #tpu.memory_space<vmem>>
      %dma_wait3A_277 = arith.constant 0 : i32
      %dma_wait3A_278 = tpu.memref_slice %arg5[%add3A_271, %dma_wait3A_277] : memref<32x50xi32, #tpu.memory_space<vmem>> -> memref<1x50xi32, #tpu.memory_space<vmem>>
      %dma_wait3A_279 = tpu.memref_squeeze %dma_wait3A_278 : memref<1x50xi32, #tpu.memory_space<vmem>> -> memref<50xi32, #tpu.memory_space<vmem>>
      %dma_wait3A_280 = arith.constant 0 : i32
      %dma_wait3A_281 = arith.constant 0 : i32
      %dma_wait3A_282 = tpu.memref_slice %arg2[%dma_wait3A_280, %dma_wait3A_281] : memref<100000x128xf32, #tpu.memory_space<hbm>> -> memref<100000x128xf32, #tpu.memory_space<hbm>>
      tpu.wait_indirect_dma semaphore(%arg10 : memref<!tpu.dma_semaphore, #tpu.memory_space<semaphore_mem>>) src(%dma_wait3A_282 : memref<100000x128xf32, #tpu.memory_space<hbm>>) dst(%dma_wait3A_276 : memref<50x128xf32, #tpu.memory_space<vmem>>)
      %add3A_283 = arith.constant 4 : i32
      %add3A_284 = arith.addi %add3A_271, %add3A_283 : i32
      %lt3A_285 = arith.constant 32 : i32
      %lt3A_286 = arith.cmpi slt, %add3A_284, %lt3A_285 : i32
      %convert_element_type3A_287 = arith.extui %lt3A_286 : i1 to i32
      %cond3A_288 = arith.constant 0 : i32
      %cond3A_289 = arith.cmpi ne, %convert_element_type3A_287, %cond3A_288 : i32
      scf.if %cond3A_289 {
        %add3A_484 = arith.constant 4 : i32
        %add3A_485 = arith.addi %add3A_271, %add3A_484 : i32
        %dma_start3A_486 = arith.constant 2 : i32
        %dma_start3A_487 = arith.constant 0 : i32
        %dma_start3A_488 = arith.constant 0 : i32
        %dma_start3A_489 = tpu.memref_slice %arg6[%dma_start3A_486, %dma_start3A_487, %dma_start3A_488] : memref<4x50x128xf32, #tpu.memory_space<vmem>> -> memref<1x50x128xf32, #tpu.memory_space<vmem>>
        %dma_start3A_490 = tpu.memref_squeeze %dma_start3A_489 : memref<1x50x128xf32, #tpu.memory_space<vmem>> -> memref<50x128xf32, #tpu.memory_space<vmem>>
        %dma_start3A_491 = arith.constant 0 : i32
        %dma_start3A_492 = tpu.memref_slice %arg5[%add3A_485, %dma_start3A_491] : memref<32x50xi32, #tpu.memory_space<vmem>> -> memref<1x50xi32, #tpu.memory_space<vmem>>
        %dma_start3A_493 = tpu.memref_squeeze %dma_start3A_492 : memref<1x50xi32, #tpu.memory_space<vmem>> -> memref<50xi32, #tpu.memory_space<vmem>>
        %dma_start3A_494 = arith.constant 0 : i32
        %dma_start3A_495 = arith.constant 0 : i32
        %dma_start3A_496 = tpu.memref_slice %arg2[%dma_start3A_494, %dma_start3A_495] : memref<100000x128xf32, #tpu.memory_space<hbm>> -> memref<100000x128xf32, #tpu.memory_space<hbm>>
        tpu.enqueue_indirect_dma source(%dma_start3A_496 : memref<100000x128xf32, #tpu.memory_space<hbm>>) target(%dma_start3A_490 : memref<50x128xf32, #tpu.memory_space<vmem>>) offsets(%dma_start3A_493 : memref<50xi32, #tpu.memory_space<vmem>>) semaphore(%arg10 : memref<!tpu.dma_semaphore, #tpu.memory_space<semaphore_mem>>)
      } else {
      }
      %broadcast_in_dim3A_290 = arith.constant 0.000000e+00 : f32
      %broadcast_in_dim3A_291 = vector.broadcast %broadcast_in_dim3A_290 : f32 to vector<16xf32>
      %broadcast_in_dim3A_292 = arith.constant 0.000000e+00 : f32
      %broadcast_in_dim3A_293 = vector.broadcast %broadcast_in_dim3A_292 : f32 to vector<16xf32>
      %broadcast_in_dim3A_294 = arith.constant 0.000000e+00 : f32
      %broadcast_in_dim3A_295 = vector.broadcast %broadcast_in_dim3A_294 : f32 to vector<16xf32>
      %broadcast_in_dim3A_296 = arith.constant 0.000000e+00 : f32
      %broadcast_in_dim3A_297 = vector.broadcast %broadcast_in_dim3A_296 : f32 to vector<16xf32>
      %broadcast_in_dim3A_298 = arith.constant 0.000000e+00 : f32
      %broadcast_in_dim3A_299 = vector.broadcast %broadcast_in_dim3A_298 : f32 to vector<16xf32>
      %broadcast_in_dim3A_300 = arith.constant 0.000000e+00 : f32
      %broadcast_in_dim3A_301 = vector.broadcast %broadcast_in_dim3A_300 : f32 to vector<16xf32>
      %broadcast_in_dim3A_302 = arith.constant 0.000000e+00 : f32
      %broadcast_in_dim3A_303 = vector.broadcast %broadcast_in_dim3A_302 : f32 to vector<16xf32>
      %broadcast_in_dim3A_304 = arith.constant 0.000000e+00 : f32
      %broadcast_in_dim3A_305 = vector.broadcast %broadcast_in_dim3A_304 : f32 to vector<16xf32>
      %scan3A_306 = arith.constant 0 : i32
      %scan3A_307 = arith.constant 50 : i32
      %scan3A_308 = arith.addi %scan3A_306, %scan3A_307 : i32
      %scan3A_309 = arith.constant 1 : i32
      %scan3A_310:8 = scf.for %scan3A_484 = %scan3A_306 to %scan3A_308 step %scan3A_309 iter_args(%scan3A_485 = %broadcast_in_dim3A_291, %scan3A_486 = %broadcast_in_dim3A_293, %scan3A_487 = %broadcast_in_dim3A_295, %scan3A_488 = %broadcast_in_dim3A_297, %scan3A_489 = %broadcast_in_dim3A_299, %scan3A_490 = %broadcast_in_dim3A_301, %scan3A_491 = %broadcast_in_dim3A_303, %scan3A_492 = %broadcast_in_dim3A_305) -> (vector<16xf32>, vector<16xf32>, vector<16xf32>, vector<16xf32>, vector<16xf32>, vector<16xf32>, vector<16xf32>, vector<16xf32>)  : i32 {
        %get3A = arith.constant 2 : i32
        %get3A_493 = arith.index_cast %get3A : i32 to index
        %get3A_494 = arith.index_cast %scan3A_484 : i32 to index
        %get3A_495 = arith.constant 0 : index
        %get3A_496 = tpu.vector_load %arg6[%get3A_493, %get3A_494, %get3A_495] {strides = array<i32>} : memref<4x50x128xf32, #tpu.memory_space<vmem>>, vector<1x1x16xf32>,
        %get3A_497 = vector.shape_cast %get3A_496 : vector<1x1x16xf32> to vector<16xf32>
        %add3A_498 = arith.addf %scan3A_485, %get3A_497 : vector<16xf32>
        %get3A_499 = arith.constant 2 : i32
        %get3A_500 = arith.index_cast %get3A_499 : i32 to index
        %get3A_501 = arith.index_cast %scan3A_484 : i32 to index
        %get3A_502 = arith.constant 16 : index
        %get3A_503 = tpu.vector_load %arg6[%get3A_500, %get3A_501, %get3A_502] {strides = array<i32>} : memref<4x50x128xf32, #tpu.memory_space<vmem>>, vector<1x1x16xf32>,
        %get3A_504 = vector.shape_cast %get3A_503 : vector<1x1x16xf32> to vector<16xf32>
        %add3A_505 = arith.addf %scan3A_486, %get3A_504 : vector<16xf32>
        %get3A_506 = arith.constant 2 : i32
        %get3A_507 = arith.index_cast %get3A_506 : i32 to index
        %get3A_508 = arith.index_cast %scan3A_484 : i32 to index
        %get3A_509 = arith.constant 32 : index
        %get3A_510 = tpu.vector_load %arg6[%get3A_507, %get3A_508, %get3A_509] {strides = array<i32>} : memref<4x50x128xf32, #tpu.memory_space<vmem>>, vector<1x1x16xf32>,
        %get3A_511 = vector.shape_cast %get3A_510 : vector<1x1x16xf32> to vector<16xf32>
        %add3A_512 = arith.addf %scan3A_487, %get3A_511 : vector<16xf32>
        %get3A_513 = arith.constant 2 : i32
        %get3A_514 = arith.index_cast %get3A_513 : i32 to index
        %get3A_515 = arith.index_cast %scan3A_484 : i32 to index
        %get3A_516 = arith.constant 48 : index
        %get3A_517 = tpu.vector_load %arg6[%get3A_514, %get3A_515, %get3A_516] {strides = array<i32>} : memref<4x50x128xf32, #tpu.memory_space<vmem>>, vector<1x1x16xf32>,
        %get3A_518 = vector.shape_cast %get3A_517 : vector<1x1x16xf32> to vector<16xf32>
        %add3A_519 = arith.addf %scan3A_488, %get3A_518 : vector<16xf32>
        %get3A_520 = arith.constant 2 : i32
        %get3A_521 = arith.index_cast %get3A_520 : i32 to index
        %get3A_522 = arith.index_cast %scan3A_484 : i32 to index
        %get3A_523 = arith.constant 64 : index
        %get3A_524 = tpu.vector_load %arg6[%get3A_521, %get3A_522, %get3A_523] {strides = array<i32>} : memref<4x50x128xf32, #tpu.memory_space<vmem>>, vector<1x1x16xf32>,
        %get3A_525 = vector.shape_cast %get3A_524 : vector<1x1x16xf32> to vector<16xf32>
        %add3A_526 = arith.addf %scan3A_489, %get3A_525 : vector<16xf32>
        %get3A_527 = arith.constant 2 : i32
        %get3A_528 = arith.index_cast %get3A_527 : i32 to index
        %get3A_529 = arith.index_cast %scan3A_484 : i32 to index
        %get3A_530 = arith.constant 80 : index
        %get3A_531 = tpu.vector_load %arg6[%get3A_528, %get3A_529, %get3A_530] {strides = array<i32>} : memref<4x50x128xf32, #tpu.memory_space<vmem>>, vector<1x1x16xf32>,
        %get3A_532 = vector.shape_cast %get3A_531 : vector<1x1x16xf32> to vector<16xf32>
        %add3A_533 = arith.addf %scan3A_490, %get3A_532 : vector<16xf32>
        %get3A_534 = arith.constant 2 : i32
        %get3A_535 = arith.index_cast %get3A_534 : i32 to index
        %get3A_536 = arith.index_cast %scan3A_484 : i32 to index
        %get3A_537 = arith.constant 96 : index
        %get3A_538 = tpu.vector_load %arg6[%get3A_535, %get3A_536, %get3A_537] {strides = array<i32>} : memref<4x50x128xf32, #tpu.memory_space<vmem>>, vector<1x1x16xf32>,
        %get3A_539 = vector.shape_cast %get3A_538 : vector<1x1x16xf32> to vector<16xf32>
        %add3A_540 = arith.addf %scan3A_491, %get3A_539 : vector<16xf32>
        %get3A_541 = arith.constant 2 : i32
        %get3A_542 = arith.index_cast %get3A_541 : i32 to index
        %get3A_543 = arith.index_cast %scan3A_484 : i32 to index
        %get3A_544 = arith.constant 112 : index
        %get3A_545 = tpu.vector_load %arg6[%get3A_542, %get3A_543, %get3A_544] {strides = array<i32>} : memref<4x50x128xf32, #tpu.memory_space<vmem>>, vector<1x1x16xf32>,
        %get3A_546 = vector.shape_cast %get3A_545 : vector<1x1x16xf32> to vector<16xf32>
        %add3A_547 = arith.addf %scan3A_492, %get3A_546 : vector<16xf32>
        scf.yield %add3A_498, %add3A_505, %add3A_512, %add3A_519, %add3A_526, %add3A_533, %add3A_540, %add3A_547 : vector<16xf32>, vector<16xf32>, vector<16xf32>, vector<16xf32>, vector<16xf32>, vector<16xf32>, vector<16xf32>, vector<16xf32>
      }
      %scan3A_311 = arith.constant 50 : i32
      %mul3A_312 = arith.constant 2.000000e-02 : f32
      %mul3A_313 = vector.broadcast %mul3A_312 : f32 to vector<16xf32>
      %mul3A_314 = arith.mulf %scan3A_310#0, %mul3A_313 : vector<16xf32>
      %swap3A_315 = arith.index_cast %add3A_271 : i32 to index
      %swap3A_316 = arith.constant 0 : index
      %swap3A_317 = tpu.vector_load %arg7[%swap3A_315, %swap3A_316] {strides = array<i32>} : memref<32x128xf32, #tpu.memory_space<vmem>>, vector<1x16xf32>,
      %swap3A_318 = vector.shape_cast %swap3A_317 : vector<1x16xf32> to vector<16xf32>
      %swap3A_319 = vector.shape_cast %mul3A_314 : vector<16xf32> to vector<1x16xf32>
      tpu.vector_store %arg7[%swap3A_315, %swap3A_316], %swap3A_319 {strides = array<i32>} : memref<32x128xf32, #tpu.memory_space<vmem>>, vector<1x16xf32>,
      %mul3A_320 = arith.constant 2.000000e-02 : f32
      %mul3A_321 = vector.broadcast %mul3A_320 : f32 to vector<16xf32>
      %mul3A_322 = arith.mulf %scan3A_310#1, %mul3A_321 : vector<16xf32>
      %swap3A_323 = arith.index_cast %add3A_271 : i32 to index
      %swap3A_324 = arith.constant 16 : index
      %swap3A_325 = tpu.vector_load %arg7[%swap3A_323, %swap3A_324] {strides = array<i32>} : memref<32x128xf32, #tpu.memory_space<vmem>>, vector<1x16xf32>,
      %swap3A_326 = vector.shape_cast %swap3A_325 : vector<1x16xf32> to vector<16xf32>
      %swap3A_327 = vector.shape_cast %mul3A_322 : vector<16xf32> to vector<1x16xf32>
      tpu.vector_store %arg7[%swap3A_323, %swap3A_324], %swap3A_327 {strides = array<i32>} : memref<32x128xf32, #tpu.memory_space<vmem>>, vector<1x16xf32>,
      %mul3A_328 = arith.constant 2.000000e-02 : f32
      %mul3A_329 = vector.broadcast %mul3A_328 : f32 to vector<16xf32>
      %mul3A_330 = arith.mulf %scan3A_310#2, %mul3A_329 : vector<16xf32>
      %swap3A_331 = arith.index_cast %add3A_271 : i32 to index
      %swap3A_332 = arith.constant 32 : index
      %swap3A_333 = tpu.vector_load %arg7[%swap3A_331, %swap3A_332] {strides = array<i32>} : memref<32x128xf32, #tpu.memory_space<vmem>>, vector<1x16xf32>,
      %swap3A_334 = vector.shape_cast %swap3A_333 : vector<1x16xf32> to vector<16xf32>
      %swap3A_335 = vector.shape_cast %mul3A_330 : vector<16xf32> to vector<1x16xf32>
      tpu.vector_store %arg7[%swap3A_331, %swap3A_332], %swap3A_335 {strides = array<i32>} : memref<32x128xf32, #tpu.memory_space<vmem>>, vector<1x16xf32>,
      %mul3A_336 = arith.constant 2.000000e-02 : f32
      %mul3A_337 = vector.broadcast %mul3A_336 : f32 to vector<16xf32>
      %mul3A_338 = arith.mulf %scan3A_310#3, %mul3A_337 : vector<16xf32>
      %swap3A_339 = arith.index_cast %add3A_271 : i32 to index
      %swap3A_340 = arith.constant 48 : index
      %swap3A_341 = tpu.vector_load %arg7[%swap3A_339, %swap3A_340] {strides = array<i32>} : memref<32x128xf32, #tpu.memory_space<vmem>>, vector<1x16xf32>,
      %swap3A_342 = vector.shape_cast %swap3A_341 : vector<1x16xf32> to vector<16xf32>
      %swap3A_343 = vector.shape_cast %mul3A_338 : vector<16xf32> to vector<1x16xf32>
      tpu.vector_store %arg7[%swap3A_339, %swap3A_340], %swap3A_343 {strides = array<i32>} : memref<32x128xf32, #tpu.memory_space<vmem>>, vector<1x16xf32>,
      %mul3A_344 = arith.constant 2.000000e-02 : f32
      %mul3A_345 = vector.broadcast %mul3A_344 : f32 to vector<16xf32>
      %mul3A_346 = arith.mulf %scan3A_310#4, %mul3A_345 : vector<16xf32>
      %swap3A_347 = arith.index_cast %add3A_271 : i32 to index
      %swap3A_348 = arith.constant 64 : index
      %swap3A_349 = tpu.vector_load %arg7[%swap3A_347, %swap3A_348] {strides = array<i32>} : memref<32x128xf32, #tpu.memory_space<vmem>>, vector<1x16xf32>,
      %swap3A_350 = vector.shape_cast %swap3A_349 : vector<1x16xf32> to vector<16xf32>
      %swap3A_351 = vector.shape_cast %mul3A_346 : vector<16xf32> to vector<1x16xf32>
      tpu.vector_store %arg7[%swap3A_347, %swap3A_348], %swap3A_351 {strides = array<i32>} : memref<32x128xf32, #tpu.memory_space<vmem>>, vector<1x16xf32>,
      %mul3A_352 = arith.constant 2.000000e-02 : f32
      %mul3A_353 = vector.broadcast %mul3A_352 : f32 to vector<16xf32>
      %mul3A_354 = arith.mulf %scan3A_310#5, %mul3A_353 : vector<16xf32>
      %swap3A_355 = arith.index_cast %add3A_271 : i32 to index
      %swap3A_356 = arith.constant 80 : index
      %swap3A_357 = tpu.vector_load %arg7[%swap3A_355, %swap3A_356] {strides = array<i32>} : memref<32x128xf32, #tpu.memory_space<vmem>>, vector<1x16xf32>,
      %swap3A_358 = vector.shape_cast %swap3A_357 : vector<1x16xf32> to vector<16xf32>
      %swap3A_359 = vector.shape_cast %mul3A_354 : vector<16xf32> to vector<1x16xf32>
      tpu.vector_store %arg7[%swap3A_355, %swap3A_356], %swap3A_359 {strides = array<i32>} : memref<32x128xf32, #tpu.memory_space<vmem>>, vector<1x16xf32>,
      %mul3A_360 = arith.constant 2.000000e-02 : f32
      %mul3A_361 = vector.broadcast %mul3A_360 : f32 to vector<16xf32>
      %mul3A_362 = arith.mulf %scan3A_310#6, %mul3A_361 : vector<16xf32>
      %swap3A_363 = arith.index_cast %add3A_271 : i32 to index
      %swap3A_364 = arith.constant 96 : index
      %swap3A_365 = tpu.vector_load %arg7[%swap3A_363, %swap3A_364] {strides = array<i32>} : memref<32x128xf32, #tpu.memory_space<vmem>>, vector<1x16xf32>,
      %swap3A_366 = vector.shape_cast %swap3A_365 : vector<1x16xf32> to vector<16xf32>
      %swap3A_367 = vector.shape_cast %mul3A_362 : vector<16xf32> to vector<1x16xf32>
      tpu.vector_store %arg7[%swap3A_363, %swap3A_364], %swap3A_367 {strides = array<i32>} : memref<32x128xf32, #tpu.memory_space<vmem>>, vector<1x16xf32>,
      %mul3A_368 = arith.constant 2.000000e-02 : f32
      %mul3A_369 = vector.broadcast %mul3A_368 : f32 to vector<16xf32>
      %mul3A_370 = arith.mulf %scan3A_310#7, %mul3A_369 : vector<16xf32>
      %swap3A_371 = arith.index_cast %add3A_271 : i32 to index
      %swap3A_372 = arith.constant 112 : index
      %swap3A_373 = tpu.vector_load %arg7[%swap3A_371, %swap3A_372] {strides = array<i32>} : memref<32x128xf32, #tpu.memory_space<vmem>>, vector<1x16xf32>,
      %swap3A_374 = vector.shape_cast %swap3A_373 : vector<1x16xf32> to vector<16xf32>
      %swap3A_375 = vector.shape_cast %mul3A_370 : vector<16xf32> to vector<1x16xf32>
      tpu.vector_store %arg7[%swap3A_371, %swap3A_372], %swap3A_375 {strides = array<i32>} : memref<32x128xf32, #tpu.memory_space<vmem>>, vector<1x16xf32>,
      %mul3A_376 = arith.constant 4 : i32
      %mul3A_377 = arith.muli %scan3A_57, %mul3A_376 : i32
      %add3A_378 = arith.constant 3 : i32
      %add3A_379 = arith.addi %mul3A_377, %add3A_378 : i32
      %dma_wait3A_380 = arith.constant 3 : i32
      %dma_wait3A_381 = arith.constant 0 : i32
      %dma_wait3A_382 = arith.constant 0 : i32
      %dma_wait3A_383 = tpu.memref_slice %arg6[%dma_wait3A_380, %dma_wait3A_381, %dma_wait3A_382] : memref<4x50x128xf32, #tpu.memory_space<vmem>> -> memref<1x50x128xf32, #tpu.memory_space<vmem>>
      %dma_wait3A_384 = tpu.memref_squeeze %dma_wait3A_383 : memref<1x50x128xf32, #tpu.memory_space<vmem>> -> memref<50x128xf32, #tpu.memory_space<vmem>>
      %dma_wait3A_385 = arith.constant 0 : i32
      %dma_wait3A_386 = tpu.memref_slice %arg5[%add3A_379, %dma_wait3A_385] : memref<32x50xi32, #tpu.memory_space<vmem>> -> memref<1x50xi32, #tpu.memory_space<vmem>>
      %dma_wait3A_387 = tpu.memref_squeeze %dma_wait3A_386 : memref<1x50xi32, #tpu.memory_space<vmem>> -> memref<50xi32, #tpu.memory_space<vmem>>
      %dma_wait3A_388 = arith.constant 0 : i32
      %dma_wait3A_389 = arith.constant 0 : i32
      %dma_wait3A_390 = tpu.memref_slice %arg2[%dma_wait3A_388, %dma_wait3A_389] : memref<100000x128xf32, #tpu.memory_space<hbm>> -> memref<100000x128xf32, #tpu.memory_space<hbm>>
      tpu.wait_indirect_dma semaphore(%arg11 : memref<!tpu.dma_semaphore, #tpu.memory_space<semaphore_mem>>) src(%dma_wait3A_390 : memref<100000x128xf32, #tpu.memory_space<hbm>>) dst(%dma_wait3A_384 : memref<50x128xf32, #tpu.memory_space<vmem>>)
      %add3A_391 = arith.constant 4 : i32
      %add3A_392 = arith.addi %add3A_379, %add3A_391 : i32
      %lt3A_393 = arith.constant 32 : i32
      %lt3A_394 = arith.cmpi slt, %add3A_392, %lt3A_393 : i32
      %convert_element_type3A_395 = arith.extui %lt3A_394 : i1 to i32
      %cond3A_396 = arith.constant 0 : i32
      %cond3A_397 = arith.cmpi ne, %convert_element_type3A_395, %cond3A_396 : i32
      scf.if %cond3A_397 {
        %add3A_484 = arith.constant 4 : i32
        %add3A_485 = arith.addi %add3A_379, %add3A_484 : i32
        %dma_start3A_486 = arith.constant 3 : i32
        %dma_start3A_487 = arith.constant 0 : i32
        %dma_start3A_488 = arith.constant 0 : i32
        %dma_start3A_489 = tpu.memref_slice %arg6[%dma_start3A_486, %dma_start3A_487, %dma_start3A_488] : memref<4x50x128xf32, #tpu.memory_space<vmem>> -> memref<1x50x128xf32, #tpu.memory_space<vmem>>
        %dma_start3A_490 = tpu.memref_squeeze %dma_start3A_489 : memref<1x50x128xf32, #tpu.memory_space<vmem>> -> memref<50x128xf32, #tpu.memory_space<vmem>>
        %dma_start3A_491 = arith.constant 0 : i32
        %dma_start3A_492 = tpu.memref_slice %arg5[%add3A_485, %dma_start3A_491] : memref<32x50xi32, #tpu.memory_space<vmem>> -> memref<1x50xi32, #tpu.memory_space<vmem>>
        %dma_start3A_493 = tpu.memref_squeeze %dma_start3A_492 : memref<1x50xi32, #tpu.memory_space<vmem>> -> memref<50xi32, #tpu.memory_space<vmem>>
        %dma_start3A_494 = arith.constant 0 : i32
        %dma_start3A_495 = arith.constant 0 : i32
        %dma_start3A_496 = tpu.memref_slice %arg2[%dma_start3A_494, %dma_start3A_495] : memref<100000x128xf32, #tpu.memory_space<hbm>> -> memref<100000x128xf32, #tpu.memory_space<hbm>>
        tpu.enqueue_indirect_dma source(%dma_start3A_496 : memref<100000x128xf32, #tpu.memory_space<hbm>>) target(%dma_start3A_490 : memref<50x128xf32, #tpu.memory_space<vmem>>) offsets(%dma_start3A_493 : memref<50xi32, #tpu.memory_space<vmem>>) semaphore(%arg11 : memref<!tpu.dma_semaphore, #tpu.memory_space<semaphore_mem>>)
      } else {
      }
      %broadcast_in_dim3A_398 = arith.constant 0.000000e+00 : f32
      %broadcast_in_dim3A_399 = vector.broadcast %broadcast_in_dim3A_398 : f32 to vector<16xf32>
      %broadcast_in_dim3A_400 = arith.constant 0.000000e+00 : f32
      %broadcast_in_dim3A_401 = vector.broadcast %broadcast_in_dim3A_400 : f32 to vector<16xf32>
      %broadcast_in_dim3A_402 = arith.constant 0.000000e+00 : f32
      %broadcast_in_dim3A_403 = vector.broadcast %broadcast_in_dim3A_402 : f32 to vector<16xf32>
      %broadcast_in_dim3A_404 = arith.constant 0.000000e+00 : f32
      %broadcast_in_dim3A_405 = vector.broadcast %broadcast_in_dim3A_404 : f32 to vector<16xf32>
      %broadcast_in_dim3A_406 = arith.constant 0.000000e+00 : f32
      %broadcast_in_dim3A_407 = vector.broadcast %broadcast_in_dim3A_406 : f32 to vector<16xf32>
      %broadcast_in_dim3A_408 = arith.constant 0.000000e+00 : f32
      %broadcast_in_dim3A_409 = vector.broadcast %broadcast_in_dim3A_408 : f32 to vector<16xf32>
      %broadcast_in_dim3A_410 = arith.constant 0.000000e+00 : f32
      %broadcast_in_dim3A_411 = vector.broadcast %broadcast_in_dim3A_410 : f32 to vector<16xf32>
      %broadcast_in_dim3A_412 = arith.constant 0.000000e+00 : f32
      %broadcast_in_dim3A_413 = vector.broadcast %broadcast_in_dim3A_412 : f32 to vector<16xf32>
      %scan3A_414 = arith.constant 0 : i32
      %scan3A_415 = arith.constant 50 : i32
      %scan3A_416 = arith.addi %scan3A_414, %scan3A_415 : i32
      %scan3A_417 = arith.constant 1 : i32
      %scan3A_418:8 = scf.for %scan3A_484 = %scan3A_414 to %scan3A_416 step %scan3A_417 iter_args(%scan3A_485 = %broadcast_in_dim3A_399, %scan3A_486 = %broadcast_in_dim3A_401, %scan3A_487 = %broadcast_in_dim3A_403, %scan3A_488 = %broadcast_in_dim3A_405, %scan3A_489 = %broadcast_in_dim3A_407, %scan3A_490 = %broadcast_in_dim3A_409, %scan3A_491 = %broadcast_in_dim3A_411, %scan3A_492 = %broadcast_in_dim3A_413) -> (vector<16xf32>, vector<16xf32>, vector<16xf32>, vector<16xf32>, vector<16xf32>, vector<16xf32>, vector<16xf32>, vector<16xf32>)  : i32 {
        %get3A = arith.constant 3 : i32
        %get3A_493 = arith.index_cast %get3A : i32 to index
        %get3A_494 = arith.index_cast %scan3A_484 : i32 to index
        %get3A_495 = arith.constant 0 : index
        %get3A_496 = tpu.vector_load %arg6[%get3A_493, %get3A_494, %get3A_495] {strides = array<i32>} : memref<4x50x128xf32, #tpu.memory_space<vmem>>, vector<1x1x16xf32>,
        %get3A_497 = vector.shape_cast %get3A_496 : vector<1x1x16xf32> to vector<16xf32>
        %add3A_498 = arith.addf %scan3A_485, %get3A_497 : vector<16xf32>
        %get3A_499 = arith.constant 3 : i32
        %get3A_500 = arith.index_cast %get3A_499 : i32 to index
        %get3A_501 = arith.index_cast %scan3A_484 : i32 to index
        %get3A_502 = arith.constant 16 : index
        %get3A_503 = tpu.vector_load %arg6[%get3A_500, %get3A_501, %get3A_502] {strides = array<i32>} : memref<4x50x128xf32, #tpu.memory_space<vmem>>, vector<1x1x16xf32>,
        %get3A_504 = vector.shape_cast %get3A_503 : vector<1x1x16xf32> to vector<16xf32>
        %add3A_505 = arith.addf %scan3A_486, %get3A_504 : vector<16xf32>
        %get3A_506 = arith.constant 3 : i32
        %get3A_507 = arith.index_cast %get3A_506 : i32 to index
        %get3A_508 = arith.index_cast %scan3A_484 : i32 to index
        %get3A_509 = arith.constant 32 : index
        %get3A_510 = tpu.vector_load %arg6[%get3A_507, %get3A_508, %get3A_509] {strides = array<i32>} : memref<4x50x128xf32, #tpu.memory_space<vmem>>, vector<1x1x16xf32>,
        %get3A_511 = vector.shape_cast %get3A_510 : vector<1x1x16xf32> to vector<16xf32>
        %add3A_512 = arith.addf %scan3A_487, %get3A_511 : vector<16xf32>
        %get3A_513 = arith.constant 3 : i32
        %get3A_514 = arith.index_cast %get3A_513 : i32 to index
        %get3A_515 = arith.index_cast %scan3A_484 : i32 to index
        %get3A_516 = arith.constant 48 : index
        %get3A_517 = tpu.vector_load %arg6[%get3A_514, %get3A_515, %get3A_516] {strides = array<i32>} : memref<4x50x128xf32, #tpu.memory_space<vmem>>, vector<1x1x16xf32>,
        %get3A_518 = vector.shape_cast %get3A_517 : vector<1x1x16xf32> to vector<16xf32>
        %add3A_519 = arith.addf %scan3A_488, %get3A_518 : vector<16xf32>
        %get3A_520 = arith.constant 3 : i32
        %get3A_521 = arith.index_cast %get3A_520 : i32 to index
        %get3A_522 = arith.index_cast %scan3A_484 : i32 to index
        %get3A_523 = arith.constant 64 : index
        %get3A_524 = tpu.vector_load %arg6[%get3A_521, %get3A_522, %get3A_523] {strides = array<i32>} : memref<4x50x128xf32, #tpu.memory_space<vmem>>, vector<1x1x16xf32>,
        %get3A_525 = vector.shape_cast %get3A_524 : vector<1x1x16xf32> to vector<16xf32>
        %add3A_526 = arith.addf %scan3A_489, %get3A_525 : vector<16xf32>
        %get3A_527 = arith.constant 3 : i32
        %get3A_528 = arith.index_cast %get3A_527 : i32 to index
        %get3A_529 = arith.index_cast %scan3A_484 : i32 to index
        %get3A_530 = arith.constant 80 : index
        %get3A_531 = tpu.vector_load %arg6[%get3A_528, %get3A_529, %get3A_530] {strides = array<i32>} : memref<4x50x128xf32, #tpu.memory_space<vmem>>, vector<1x1x16xf32>,
        %get3A_532 = vector.shape_cast %get3A_531 : vector<1x1x16xf32> to vector<16xf32>
        %add3A_533 = arith.addf %scan3A_490, %get3A_532 : vector<16xf32>
        %get3A_534 = arith.constant 3 : i32
        %get3A_535 = arith.index_cast %get3A_534 : i32 to index
        %get3A_536 = arith.index_cast %scan3A_484 : i32 to index
        %get3A_537 = arith.constant 96 : index
        %get3A_538 = tpu.vector_load %arg6[%get3A_535, %get3A_536, %get3A_537] {strides = array<i32>} : memref<4x50x128xf32, #tpu.memory_space<vmem>>, vector<1x1x16xf32>,
        %get3A_539 = vector.shape_cast %get3A_538 : vector<1x1x16xf32> to vector<16xf32>
        %add3A_540 = arith.addf %scan3A_491, %get3A_539 : vector<16xf32>
        %get3A_541 = arith.constant 3 : i32
        %get3A_542 = arith.index_cast %get3A_541 : i32 to index
        %get3A_543 = arith.index_cast %scan3A_484 : i32 to index
        %get3A_544 = arith.constant 112 : index
        %get3A_545 = tpu.vector_load %arg6[%get3A_542, %get3A_543, %get3A_544] {strides = array<i32>} : memref<4x50x128xf32, #tpu.memory_space<vmem>>, vector<1x1x16xf32>,
        %get3A_546 = vector.shape_cast %get3A_545 : vector<1x1x16xf32> to vector<16xf32>
        %add3A_547 = arith.addf %scan3A_492, %get3A_546 : vector<16xf32>
        scf.yield %add3A_498, %add3A_505, %add3A_512, %add3A_519, %add3A_526, %add3A_533, %add3A_540, %add3A_547 : vector<16xf32>, vector<16xf32>, vector<16xf32>, vector<16xf32>, vector<16xf32>, vector<16xf32>, vector<16xf32>, vector<16xf32>
      }
      %scan3A_419 = arith.constant 50 : i32
      %mul3A_420 = arith.constant 2.000000e-02 : f32
      %mul3A_421 = vector.broadcast %mul3A_420 : f32 to vector<16xf32>
      %mul3A_422 = arith.mulf %scan3A_418#0, %mul3A_421 : vector<16xf32>
      %swap3A_423 = arith.index_cast %add3A_379 : i32 to index
      %swap3A_424 = arith.constant 0 : index
      %swap3A_425 = tpu.vector_load %arg7[%swap3A_423, %swap3A_424] {strides = array<i32>} : memref<32x128xf32, #tpu.memory_space<vmem>>, vector<1x16xf32>,
      %swap3A_426 = vector.shape_cast %swap3A_425 : vector<1x16xf32> to vector<16xf32>
      %swap3A_427 = vector.shape_cast %mul3A_422 : vector<16xf32> to vector<1x16xf32>
      tpu.vector_store %arg7[%swap3A_423, %swap3A_424], %swap3A_427 {strides = array<i32>} : memref<32x128xf32, #tpu.memory_space<vmem>>, vector<1x16xf32>,
      %mul3A_428 = arith.constant 2.000000e-02 : f32
      %mul3A_429 = vector.broadcast %mul3A_428 : f32 to vector<16xf32>
      %mul3A_430 = arith.mulf %scan3A_418#1, %mul3A_429 : vector<16xf32>
      %swap3A_431 = arith.index_cast %add3A_379 : i32 to index
      %swap3A_432 = arith.constant 16 : index
      %swap3A_433 = tpu.vector_load %arg7[%swap3A_431, %swap3A_432] {strides = array<i32>} : memref<32x128xf32, #tpu.memory_space<vmem>>, vector<1x16xf32>,
      %swap3A_434 = vector.shape_cast %swap3A_433 : vector<1x16xf32> to vector<16xf32>
      %swap3A_435 = vector.shape_cast %mul3A_430 : vector<16xf32> to vector<1x16xf32>
      tpu.vector_store %arg7[%swap3A_431, %swap3A_432], %swap3A_435 {strides = array<i32>} : memref<32x128xf32, #tpu.memory_space<vmem>>, vector<1x16xf32>,
      %mul3A_436 = arith.constant 2.000000e-02 : f32
      %mul3A_437 = vector.broadcast %mul3A_436 : f32 to vector<16xf32>
      %mul3A_438 = arith.mulf %scan3A_418#2, %mul3A_437 : vector<16xf32>
      %swap3A_439 = arith.index_cast %add3A_379 : i32 to index
      %swap3A_440 = arith.constant 32 : index
      %swap3A_441 = tpu.vector_load %arg7[%swap3A_439, %swap3A_440] {strides = array<i32>} : memref<32x128xf32, #tpu.memory_space<vmem>>, vector<1x16xf32>,
      %swap3A_442 = vector.shape_cast %swap3A_441 : vector<1x16xf32> to vector<16xf32>
      %swap3A_443 = vector.shape_cast %mul3A_438 : vector<16xf32> to vector<1x16xf32>
      tpu.vector_store %arg7[%swap3A_439, %swap3A_440], %swap3A_443 {strides = array<i32>} : memref<32x128xf32, #tpu.memory_space<vmem>>, vector<1x16xf32>,
      %mul3A_444 = arith.constant 2.000000e-02 : f32
      %mul3A_445 = vector.broadcast %mul3A_444 : f32 to vector<16xf32>
      %mul3A_446 = arith.mulf %scan3A_418#3, %mul3A_445 : vector<16xf32>
      %swap3A_447 = arith.index_cast %add3A_379 : i32 to index
      %swap3A_448 = arith.constant 48 : index
      %swap3A_449 = tpu.vector_load %arg7[%swap3A_447, %swap3A_448] {strides = array<i32>} : memref<32x128xf32, #tpu.memory_space<vmem>>, vector<1x16xf32>,
      %swap3A_450 = vector.shape_cast %swap3A_449 : vector<1x16xf32> to vector<16xf32>
      %swap3A_451 = vector.shape_cast %mul3A_446 : vector<16xf32> to vector<1x16xf32>
      tpu.vector_store %arg7[%swap3A_447, %swap3A_448], %swap3A_451 {strides = array<i32>} : memref<32x128xf32, #tpu.memory_space<vmem>>, vector<1x16xf32>,
      %mul3A_452 = arith.constant 2.000000e-02 : f32
      %mul3A_453 = vector.broadcast %mul3A_452 : f32 to vector<16xf32>
      %mul3A_454 = arith.mulf %scan3A_418#4, %mul3A_453 : vector<16xf32>
      %swap3A_455 = arith.index_cast %add3A_379 : i32 to index
      %swap3A_456 = arith.constant 64 : index
      %swap3A_457 = tpu.vector_load %arg7[%swap3A_455, %swap3A_456] {strides = array<i32>} : memref<32x128xf32, #tpu.memory_space<vmem>>, vector<1x16xf32>,
      %swap3A_458 = vector.shape_cast %swap3A_457 : vector<1x16xf32> to vector<16xf32>
      %swap3A_459 = vector.shape_cast %mul3A_454 : vector<16xf32> to vector<1x16xf32>
      tpu.vector_store %arg7[%swap3A_455, %swap3A_456], %swap3A_459 {strides = array<i32>} : memref<32x128xf32, #tpu.memory_space<vmem>>, vector<1x16xf32>,
      %mul3A_460 = arith.constant 2.000000e-02 : f32
      %mul3A_461 = vector.broadcast %mul3A_460 : f32 to vector<16xf32>
      %mul3A_462 = arith.mulf %scan3A_418#5, %mul3A_461 : vector<16xf32>
      %swap3A_463 = arith.index_cast %add3A_379 : i32 to index
      %swap3A_464 = arith.constant 80 : index
      %swap3A_465 = tpu.vector_load %arg7[%swap3A_463, %swap3A_464] {strides = array<i32>} : memref<32x128xf32, #tpu.memory_space<vmem>>, vector<1x16xf32>,
      %swap3A_466 = vector.shape_cast %swap3A_465 : vector<1x16xf32> to vector<16xf32>
      %swap3A_467 = vector.shape_cast %mul3A_462 : vector<16xf32> to vector<1x16xf32>
      tpu.vector_store %arg7[%swap3A_463, %swap3A_464], %swap3A_467 {strides = array<i32>} : memref<32x128xf32, #tpu.memory_space<vmem>>, vector<1x16xf32>,
      %mul3A_468 = arith.constant 2.000000e-02 : f32
      %mul3A_469 = vector.broadcast %mul3A_468 : f32 to vector<16xf32>
      %mul3A_470 = arith.mulf %scan3A_418#6, %mul3A_469 : vector<16xf32>
      %swap3A_471 = arith.index_cast %add3A_379 : i32 to index
      %swap3A_472 = arith.constant 96 : index
      %swap3A_473 = tpu.vector_load %arg7[%swap3A_471, %swap3A_472] {strides = array<i32>} : memref<32x128xf32, #tpu.memory_space<vmem>>, vector<1x16xf32>,
      %swap3A_474 = vector.shape_cast %swap3A_473 : vector<1x16xf32> to vector<16xf32>
      %swap3A_475 = vector.shape_cast %mul3A_470 : vector<16xf32> to vector<1x16xf32>
      tpu.vector_store %arg7[%swap3A_471, %swap3A_472], %swap3A_475 {strides = array<i32>} : memref<32x128xf32, #tpu.memory_space<vmem>>, vector<1x16xf32>,
      %mul3A_476 = arith.constant 2.000000e-02 : f32
      %mul3A_477 = vector.broadcast %mul3A_476 : f32 to vector<16xf32>
      %mul3A_478 = arith.mulf %scan3A_418#7, %mul3A_477 : vector<16xf32>
      %swap3A_479 = arith.index_cast %add3A_379 : i32 to index
      %swap3A_480 = arith.constant 112 : index
      %swap3A_481 = tpu.vector_load %arg7[%swap3A_479, %swap3A_480] {strides = array<i32>} : memref<32x128xf32, #tpu.memory_space<vmem>>, vector<1x16xf32>,
      %swap3A_482 = vector.shape_cast %swap3A_481 : vector<1x16xf32> to vector<16xf32>
      %swap3A_483 = vector.shape_cast %mul3A_478 : vector<16xf32> to vector<1x16xf32>
      tpu.vector_store %arg7[%swap3A_479, %swap3A_480], %swap3A_483 {strides = array<i32>} : memref<32x128xf32, #tpu.memory_space<vmem>>, vector<1x16xf32>,
    }
    %scan3A_54 = arith.constant 8 : i32
    %mul3A_55 = arith.constant 32 : i32
    %mul3A_56 = arith.muli %add3A, %mul3A_55 : i32
    "tpu.region"() ({
      %run_scoped3A = tpu.sem_alloc : memref<!tpu.dma_semaphore, #tpu.memory_space<semaphore_mem>>
      %dma_start3A_57 = arith.constant 0 : i32
      %dma_start3A_58 = tpu.memref_slice %arg4[%mul3A_56, %dma_start3A_57] : memref<1024x128xf32, #tpu.memory_space<hbm>> -> memref<32x128xf32, #tpu.memory_space<hbm>>
      %dma_start3A_59 = arith.constant 0 : i32
      %dma_start3A_60 = tpu.memref_slice %arg4[%mul3A_56, %dma_start3A_59] : memref<1024x128xf32, #tpu.memory_space<hbm>> -> memref<32x128xf32, #tpu.memory_space<hbm>>
      tpu.enqueue_dma source(%arg7 : memref<32x128xf32, #tpu.memory_space<vmem>>) target(%dma_start3A_60 : memref<32x128xf32, #tpu.memory_space<hbm>>) target_semaphore(%run_scoped3A : memref<!tpu.dma_semaphore, #tpu.memory_space<semaphore_mem>>)
      %dma_wait3A = arith.constant 0 : i32
      %dma_wait3A_61 = tpu.memref_slice %arg4[%mul3A_56, %dma_wait3A] : memref<1024x128xf32, #tpu.memory_space<hbm>> -> memref<32x128xf32, #tpu.memory_space<hbm>>
      %dma_wait3A_62 = arith.constant 0 : i32
      %dma_wait3A_63 = tpu.memref_slice %arg4[%mul3A_56, %dma_wait3A_62] : memref<1024x128xf32, #tpu.memory_space<hbm>> -> memref<32x128xf32, #tpu.memory_space<hbm>>
      tpu.wait_dma2 semaphore(%run_scoped3A : memref<!tpu.dma_semaphore, #tpu.memory_space<semaphore_mem>>) src(%arg7 : memref<32x128xf32, #tpu.memory_space<vmem>>) dst(%dma_wait3A_63 : memref<32x128xf32, #tpu.memory_space<hbm>>)
      tpu.yield
    }) : () -> ()
    return
  }
}

</mosaic_0001>

<sc_bundles>
// kernel: kernel.3.cloned.1.call-start
scs
__scs_entry_jumppad:
0x0: {  	(pc) =	sbr.rel $0x88, $3  }
0x1: {  	(tag) =	ssettag $0x0;
	lr =	simm.s32 $0x1  }
0x2: {  	[smem:$0x3F9F] =	sst lr;
	_ =	strace $0xD0000000  }
0x3: {  	_ = 	snop  }
0x4: {  	_ = 	snop  }
0x5: {  	_ = 	snop  }
0x6: {  	_ = 	snop  }
0x7: {  	_ = 	snop  }
__scs_overlays_trampoline_lowered:
0x8: {  	[smem:$0x3FAE] =	sst s0  }
0x9: {  	[smem:$0x3FAF] =	sst s1  }
0xa: {  	[smem:$0x3FB0] =	sst s2  }
0xb: {  	[smem:$0x3FB1] =	sst s3  }
0xc: {  	[smem:$0x3FB2] =	sst s4  }
0xd: {  	[smem:$0x3FB3] =	sst s5  }
0xe: {  	[smem:$0x3FB4] =	sst s6  }
0xf: {  	[smem:$0x3FB5] =	sst s7  }
0x10: {  	[smem:$0x3FB6] =	sst s8  }
0x11: {  	[smem:$0x3FB7] =	sst s9;
	s0 =	simm.s32 @!p0 $0x0  }
0x12: {  	s1 =	sld [smem:$0x3F9D];
	s0 =	simm.s32 @p0 $0x1  }
0x13: {  	[smem:$0x3FB8] =	sst s0;
	s0 =	simm.s32 @!p1 $0x0  }
0x14: {  	s2 =	sld [smem:$0x3F9C];
	s0 =	simm.s32 @p1 $0x1  }
0x15: {  	[smem:$0x3FB9] =	sst s0;
	s0 =	simm.s32 @!p2 $0x0  }
0x16: {  	s3 =	sld [smem:$0x3FDB];
	s0 =	simm.s32 @p2 $0x1  }
0x17: {  	s4 =	simm.s32 $0x1BF5;
	[smem:$0x3FBB] =	sst s0  }
0x18: {  	s0 =	sld [smem:$0x3F9E];
	_ =	swait.ge [sflag:s4], $0x0  }
0x19: {  	s7 =	sld [smem:$0x3F9F]  }
0x1a: {  	s8 =	sadd.s32 $0xFFFFE003, lr  }
0x1b: {  	s9 =	sadd.s32 $0xFFFFFEF7, lr;
	s5 =	simm.s32 $0xFFFFFFFF;
	p2 =	slt.u32 s8, $0xFFFFF086  }
0x1c: {  	p1 =	slt.u32 s9, $0xF7A;
	s5 =	simm.s32 @!p2 $0x0  }
0x1d: {  	s5 =	simm.s32 @p1 $0x1;
	p0 =	seq.s32 s7, s2  }
0x1e: {  	s7 =	smul.u32 @!p0 $0xF7A, s2;
	p2 =	seq.s32 @!p0 s5, $0x0  }
0x1f: {  	s9 =	smul.u32 $0xF7A, s1;
	s8 =	simm.s32 @!p0 $0x1BF5;
	p2 =	por !p2, p0  }
0x20: {  	[sflag:s8] =	ssyncset.s32 @!p0 $0xFFFFF086;
	s6 =	sadd.s32 @!p0 s3, s7;
	s7 =	simm.s32 @!p0 $0x108  }
0x21: {  	s3 =	sadd.s32 s3, s9;
	s6 =	sadd.s32 @!p0 $0x88, s6;
	s7 =	simm.s32 @p2 $0x1082  }
0x22: {  	[simem:s7], [sflag:s8] =	dma.local @!p0 [hbm:s6], $0xF7A  }
0x23: {  	s9 =	sor.u32 $0xD0000000, s2;
	s6 =	simm.s32 $0x108;
	_ =	swait.ge @!p0 [sflag:s8], $0x0  }
0x24: {  	s3 =	sadd.s32 $0x88, s3;
	s6 =	simm.s32 @!p1 $0x1082;
	[sflag:s4] =	ssyncset.s32 $0xFFFFF086  }
0x25: {  	[simem:s6], [sflag:s4] =	dma.local [hbm:s3], $0xF7A  }
0x26: {  	[smem:$0x3F9F] =	sst s1;
	(tag) =	ssettag s2;
	_ =	strace s9  }
0x27: {  	s1 =	sld [smem:$0x3FAF]  }
0x28: {  	s2 =	sld [smem:$0x3FB0]  }
0x29: {  	s4 =	sld [smem:$0x3FB2]  }
0x2a: {  	p0 =	seq.s32 s5, $0x0;
	s5 =	sld [smem:$0x3FB3]  }
0x2b: {  	s6 =	sld [smem:$0x3FB4]  }
0x2c: {  	s7 =	sld [smem:$0x3FB5]  }
0x2d: {  	s3 =	simm.s32 $0x108;
	s8 =	sld [smem:$0x3FB6]  }
0x2e: {  	s3 =	simm.s32 @!p0 $0x1082;
	s9 =	sld [smem:$0x3FB7]  }
0x2f: {  	lr =	sadd.s32 s0, s3;
	s0 =	sld [smem:$0x3FAE]  }
0x30: {  	s3 =	sld [smem:$0x3FB1]  }
0x31: {  	[smem:$0x3FBA] =	sst s10  }
0x32: {  	s10 =	sld [smem:$0x3FB8];
	_ =	sdelay $0x3  }
0x33: {  	p0 =	seq.s32 s10, $0x1;
	s10 =	sld [smem:$0x3FBA];
	_ =	sdelay $0x3  }
0x34: {  	[smem:$0x3FBA] =	sst s10  }
0x35: {  	s10 =	sld [smem:$0x3FB9];
	_ =	sdelay $0x3  }
0x36: {  	p1 =	seq.s32 s10, $0x1;
	s10 =	sld [smem:$0x3FBA];
	_ =	sdelay $0x3  }
0x37: {  	[smem:$0x3FBA] =	sst s10  }
0x38: {  	s10 =	sld [smem:$0x3FBB]  }
0x39: {  	_ = 	snop;
	(pc) =	sbr.ind lr, $3  }
0x3a: {  	_ = 	snop  }
0x3b: {  	_ = 	snop  }
0x3c: {  	p2 =	seq.s32 s10, $0x1;
	s10 =	sld [smem:$0x3FBA]  }
0x3d: {  	_ =	shalt  }
0x3e: {  	_ =	shalt  }
0x3f: {  	_ =	shalt  }
0x40: {  	_ =	shalt  }
0x41: {  	_ =	shalt  }
0x42: {  	_ =	shalt  }
0x43: {  	_ =	shalt  }
0x44: {  	_ =	shalt  }
0x45: {  	_ =	shalt  }
0x46: {  	_ =	shalt  }
0x47: {  	_ =	shalt  }
0x48: {  	_ =	shalt  }
0x49: {  	_ =	shalt  }
0x4a: {  	_ =	shalt  }
0x4b: {  	_ =	shalt  }
0x4c: {  	_ =	shalt  }
0x4d: {  	_ =	shalt  }
0x4e: {  	_ =	shalt  }
0x4f: {  	_ =	shalt  }
0x50: {  	_ =	shalt  }
0x51: {  	_ =	shalt  }
0x52: {  	_ =	shalt  }
0x53: {  	_ =	shalt  }
0x54: {  	_ =	shalt  }
0x55: {  	_ =	shalt  }
0x56: {  	_ =	shalt  }
0x57: {  	_ =	shalt  }
0x58: {  	_ =	shalt  }
0x59: {  	_ =	shalt  }
0x5a: {  	_ =	shalt  }
0x5b: {  	_ =	shalt  }
0x5c: {  	_ =	shalt  }
0x5d: {  	_ =	shalt  }
0x5e: {  	_ =	shalt  }
0x5f: {  	_ =	shalt  }
0x60: {  	_ =	shalt  }
0x61: {  	_ =	shalt  }
0x62: {  	_ =	shalt  }
0x63: {  	_ =	shalt  }
0x64: {  	_ =	shalt  }
0x65: {  	_ =	shalt  }
0x66: {  	_ =	shalt  }
0x67: {  	_ =	shalt  }
0x68: {  	_ =	shalt  }
0x69: {  	_ =	shalt  }
0x6a: {  	_ =	shalt  }
0x6b: {  	_ =	shalt  }
0x6c: {  	_ =	shalt  }
0x6d: {  	_ =	shalt  }
0x6e: {  	_ =	shalt  }
0x6f: {  	_ =	shalt  }
0x70: {  	_ =	shalt  }
0x71: {  	_ =	shalt  }
0x72: {  	_ =	shalt  }
0x73: {  	_ =	shalt  }
0x74: {  	_ =	shalt  }
0x75: {  	_ =	shalt  }
0x76: {  	_ =	shalt  }
0x77: {  	_ =	shalt  }
0x78: {  	_ =	shalt  }
0x79: {  	_ =	shalt  }
0x7a: {  	_ =	shalt  }
0x7b: {  	_ =	shalt  }
0x7c: {  	_ =	shalt  }
0x7d: {  	_ =	shalt  }
0x7e: {  	_ =	shalt  }
0x7f: {  	_ =	shalt  }
0x80: {  	_ =	shalt  }
0x81: {  	_ =	shalt  }
0x82: {  	_ =	shalt  }
0x83: {  	_ =	shalt  }
0x84: {  	_ =	shalt  }
0x85: {  	_ =	shalt  }
0x86: {  	_ =	shalt  }
0x87: {  	_ =	shalt  }
.Lfunc_end0:
.L_simem_size_0:
called_computation_lowered:
.L_overlay_start_0:
0x88: {  	s2 =	sld [smem:$0x3FD9]  }
0x89: {  	s3 =	sld [smem:$0x3FFE];
	_ =	sdelay $0x1  }
0x8a: {  	s1 =	srdreg.scid  }
0x8b: {  	s0 =	sand.u32 $0x1, s1  }
0x8c: {  	s17 =	sshll.u32 s0, $0xA;
	s2 =	sadd.s32 s3, s2  }
0x8d: {  	s2 =	sadd.s32 s2, s17  }
0x8e: {  	[smem:$0x3FC6] =	sst s2  }
0x8f: {  	_ = 	snop  }
0x90: {  	s2 =	sld [smem:$0x3FC9]  }
0x91: {  	s18 =	sld [smem:$0x3FD0];
	(tm) =	ssettm $0x1  }
0x92: {  	s4 =	sld [smem:$0x3FFB];
	_ =	sdelay $0x3  }
0x93: {  	_ =	strace s4  }
0x94: {  	s4 =	sld [smem:$0x3FFC];
	_ =	sdelay $0x3  }
0x95: {  	_ =	strace s4  }
0x96: {  	s4 =	sld [smem:$0x3FFD];
	_ =	sdelay $0x3  }
0x97: {  	_ =	strace s4  }
0x98: {  	_ =	strace $0x8FFFFFFF  }
0x99: {  	s19 =	sld [smem:$0x3FDB];
	_ =	sdelay $0x1  }
0x9a: {  	s5 =	simm.s32 $_scs_section_size  }
0x9b: {  	s6 =	simm.s32 $_size__tile_overlayer_lowered;
	s7 =	simm.s32 $_tile_overlayer_lowered  }
0x9c: {  	s22 =	simm.s32 $0x1BFF;
	s21 =	sshll.u32 s7, $0x1;
	s4 =	sadd.s32 s5, s19  }
0x9d: {  	s8 =	simm.s32 $0x0;
	s20 =	sshll.u32 s6, $0x1;
	s6 =	sadd.s32 s21, s4  }
0x9e: {  	[timem:s8], [sflag:s22] =	dma.local [hbm:s6], s20  }
0x9f: {  	_ =	swait.ge [sflag:s22], s20  }
0xa0: {  	s5 =	ssub.s32 $0x0, s20;
	[sflag:s22] =	ssyncset.done $0x0  }
0xa1: {  	[sflag:s22] =	ssyncadd.s32 s5;
	_ =	sdelay $0x1  }
0xa2: {  	s23 =	simm.s32 $0x1B8B  }
0xa3: {  	_ =	swait.ge [sflag:s23], $0x1  }
0xa4: {  	[sflag:s23] =	ssyncset.done $0x0  }
0xa5: {  	s25 =	simm.s32 $0x1B8E;
	s24 =	sld [smem:$0x3FFE];
	[sflag:s23] =	ssyncadd.s32 $0xFFFFFFFF  }
0xa6: {  	s26 =	simm.s32 $execute0_lowered;
	[smem:$0x3FD2] =	sst s25  }
0xa7: {  	s6 =	sshll.u32 s26, $0x1;
	_ =	strace $0x80000046;
	[dreg:$0x1] =	wrdreg $0xFFFFFFFF  }
0xa8: {  	s28 =	simm.s32 $_size_execute0_lowered;
	s4 =	sadd.s32 s4, s6;
	[dreg:$0x0] =	wrdreg $0x0  }
0xa9: {  	s6 =	sshll.u32 s28, $0x1;
	[dreg:$0x2] =	wrdreg s4  }
0xaa: {  	[dreg:$0x3] =	wrdreg s6  }
0xab: {  	[dreg:$0x4] =	wrdreg $0xC0  }
0xac: {  	_ =	task [dreg:s8], $0x5FFFF  }
0xad: {  	[dreg:$0x1] =	wrdreg $0xFFFFFFFF  }
0xae: {  	[dreg:$0x0] =	wrdreg $0x60  }
0xaf: {  	[dreg:$0x2] =	wrdreg s2  }
0xb0: {  	[dreg:$0x3] =	wrdreg s24  }
0xb1: {  	[dreg:$0x4] =	wrdreg s18  }
0xb2: {  	[dreg:$0x5] =	wrdreg $0x9  }
0xb3: {  	_ =	task.clear_ibuf [dreg:s8], $0x6FFFF;
	_ =	strace $0x90000046  }
0xb4: {  	s29 =	simm.s32 $0x9;
	_ =	strace $0x80000048  }
0xb5: {  	_ =	swait.ge [sflag:s29], $0x1  }
0xb6: {  	[sflag:s29] =	ssyncadd.s32 $0xFFFFFFFF  }
0xb7: {  	_ =	strace $0x90000048  }
0xb8: {  	_ =	sfence  }
0xb9: {  	s30 =	sld [smem:$0x0];
	_ =	sdelay $0x2  }
0xba: {  	s31 =	sshll.u32 s1, $0xD;
	s1 =	sshrl.u32 s1, $0x2  }
0xbb: {  	s3 =	sand.u32 $0x4000, s31;
	s1 =	sadd.s32 s1, s30  }
0xbc: {  	s0 =	sor.u32 s3, s0;
	s1 =	sshll.u32 s1, $0x11  }
0xbd: {  	s0 =	sor.u32 s1, s0  }
0xbe: {  	s0 =	sadd.s32 $0x8F2B, s0  }
0xbf: {  	[sflag:s0] =	ssyncadd.remote.s32 $0x1  }
0xc0: {  	_ =	sfence.sel $0xFFFF  }
0xc1: {  	[dreg:$0x0] =	wrdreg $0xFFFFFFFF;
	(pc) =	sbr.abs _section_cstart, $3  }
0xc2: {  	[dreg:$0x1] =	wrdreg $0xFFFFFFFF  }
0xc3: {  	_ =	task.clear_ibuf [dreg:s8], $0x2FFFF;
	_ =	strace $0x9FFFFFFF  }
0xc4: {  	(tm) =	ssettm $0x7FFFFFFF  }
0xc5: {  	_ =	shalt  }
tec
execute0_lowered:
.L_overlay_start_1:
0x0: {  	(tag) =	ssettag $0x1  }
0x1: {  	s1 =	rddreg [dreg:$0x0]  }
0x2: {  	s4 =	rddreg [dreg:$0x1]  }
0x3: {  	s5 =	rddreg [dreg:$0x2]  }
0x4: {  	s0 =	rddreg [dreg:$0x3];
	s6 =	srdreg.scid  }
0x5: {  	s3 =	simm.s32 $0x0;
	s2 =	stileid.u32;
	s9 =	simm.s32 $0x1000  }
0x6: {  	s10 =	simm.s32 $0x80;
	s11 =	simm.s32 $0x2C00;
	s12 =	simm.s32 $0x100  }
0x7: {  	s13 =	simm.s32 $0x4800;
	s14 =	simm.s32 $0x180;
	s15 =	simm.s32 $0x6400  }
0x8: {  	s16 =	simm.s32 $0x1;
	s17 =	simm.s32 $0x2;
	s18 =	simm.s32 $0x3  }
0x9: {  	s19 =	simm.s32 $0x4;
	s20 =	simm.s32 $0x8000;
	s21 =	simm.s32 $0x0  }
0xa: {  	s6 =	sand.u32 $0x1, s6;
	s7 =	sshll.u32 s2, $0xA;
	[smem:$0x7FF] =	sst s3  }
0xb: {  	s8 =	sshll.u32 s6, $0x9;
	s6 =	ssub.s32 $0x2, s6;
	_ =	strace $0x80000047  }
0xc: {  	s7 =	sor.u32 s8, s7;
	s31 =	sshrl.u32 s6, $0x1;
	s8 =	simm.s32 $0x32  }
0xd: {  	s4 =	sadd.s32 s7, s4;
	s6 =	ssub.s32 s6, s31;
	s5 =	sadd.s32 s5, s7  }
0xe: {  	s7 =	simm.s32 $0x5;
	s4 =	sadd.s32 $0x400, s4;
	s6 =	smax.u32 s6, $0x1  }
.LBB2_1:
0xf: {  	[tilespmem:s3], [sflag:$0x5] =	stream.linear.gather [hbm4b:s4+s3], $0x1000, $0x38;
	[tilespmem:$0x9000] =	vst v63  }
0x10: {  	_ =	swait.ge [sflag:s7], $0x1000  }
0x11: {  	[sflag:s7] =	ssyncset.done $0x0  }
0x12: {  	[sflag:s7] =	ssyncadd.s32 $0xFFFFF000  }
0x13: {  	[tilespmem:s9], [sflag:$0x1] =	stream.indirect.gather [hbm4b:s1+s8], $0x80, s3, s8, $0xb8;
	[tilespmem:$0x9000] =	vst v63  }
0x14: {  	_ = 	snop  }
0x15: {  	[tilespmem:s11], [sflag:$0x2] =	stream.indirect.gather [hbm4b:s1+s8], $0x80, s10, s8, $0xb8;
	[tilespmem:$0x9000] =	vst v63  }
0x16: {  	_ = 	snop  }
0x17: {  	[tilespmem:s13], [sflag:$0x3] =	stream.indirect.gather [hbm4b:s1+s8], $0x80, s12, s8, $0xb8;
	[tilespmem:$0x9000] =	vst v63  }
0x18: {  	s22 =	simm.s32 $0x0  }
0x19: {  	[tilespmem:s15], [sflag:$0x4] =	stream.indirect.gather [hbm4b:s1+s8], $0x80, s14, s8, $0xb8;
	[tilespmem:$0x9000] =	vst v63  }
.LBB2_2:
0x1a: {  	_ =	swait.ge [sflag:s16], $0x1900  }
0x1b: {  	s23 =	sshll.u32 s22, $0xB;
	p0 =	seq.s32 s22, $0x7;
	s31 =	simm.s32 $0x0  }
0x1c: {  	[sflag:s16] =	ssyncset.done $0x0;
	s24 =	sshrl.u32 @!p0 s23, $0x2;
	s26 =	simm.s32 @!p0 $0x32  }
0x1d: {  	s28 =	simm.s32 @!p0 $0x1000;
	[sflag:s16] =	ssyncadd.s32 $0xFFFFE700;
	s25 =	sadd.s32 @!p0 $0x200, s24  }
0x1e: {  	[tilespmem:s28], [sflag:$0x1] =	stream.indirect.gather @!p0 [hbm4b:s1+s26], $0x80, s25, s26, $0xb8;
	[tilespmem:$0x9000] =	vst v63  }
0x1f: {  	v0 =	vld [tilespmem:s31+$0x1070]  }
0x20: {  	v1 =	vld [tilespmem:s31+$0x1000]  }
0x21: {  	v3 =	vld [tilespmem:s31+$0x1010]  }
0x22: {  	v12 =	vld [tilespmem:s31+$0x1020]  }
0x23: {  	v11 =	vld [tilespmem:s31+$0x1030]  }
0x24: {  	v2 =	vimm.f32 $0.0e+00;
	v6 =	vimm.f32 $0.0e+00;
	v7 =	vld [tilespmem:s31+$0x1040]  }
0x25: {  	v9 =	vimm.f32 $0.0e+00;
	v8 =	vld [tilespmem:s31+$0x1050];
	v0 =	vadd.f32 v0, v2;
	v5 =	vadd.f32 v1, v2  }
0x26: {  	s25 =	simm.s32 $0x80;
	s26 =	simm.s32 $0x400;
	v10 =	vld [tilespmem:s31+$0x1060];
	v4 =	vadd.f32 v3, v2;
	v3 =	vimm.f32 $0.0e+00;
	v1 =	vimm.f32 $0.0e+00  }
.LBB2_3:
0x27: {  	p1 =	sne.s32 s26, $0x6200;
	v13 =	vld [tilespmem:s25+$0x1070];
	v2 =	vadd.f32 v12, v2  }
0x28: {  	v14 =	vld [tilespmem:s25+$0x1000];
	v6 =	vadd.f32 v11, v6  }
0x29: {  	v15 =	vld [tilespmem:s25+$0x1010];
	v9 =	vadd.f32 v7, v9  }
.Ltmp0:
0x2a: {  	v12 =	vld [tilespmem:s25+$0x1020];
	v3 =	vadd.f32 v8, v3;
	(pc) =	sbr.rel @p1 .LBB2_3-.Ltmp0, $4  }
0x2b: {  	v11 =	vld [tilespmem:s25+$0x1030];
	v1 =	vadd.f32 v10, v1  }
0x2c: {  	v7 =	vld [tilespmem:s25+$0x1040];
	v0 =	vadd.f32 v13, v0  }
0x2d: {  	v5 =	vadd.f32 v14, v5;
	v8 =	vld [tilespmem:s25+$0x1050]  }
0x2e: {  	v4 =	vadd.f32 v15, v4;
	v10 =	vld [tilespmem:s25+$0x1060];
	s25 =	sshra.s32 s26, $0x2;
	s26 =	sadd.s32 $0x200, s26  }
0x2f: {  	v13 =	vld [tilespmem:s25+$0x1000]  }
0x30: {  	v14 =	vld [tilespmem:s25+$0x1010]  }
0x31: {  	v15 =	vld [tilespmem:s25+$0x1020]  }
0x32: {  	v2 =	vadd.f32 v12, v2;
	v12 =	vld [tilespmem:s25+$0x1050]  }
0x33: {  	v6 =	vadd.f32 v11, v6;
	v11 =	vld [tilespmem:s25+$0x1060]  }
0x34: {  	v16 =	vld [tilespmem:s25+$0x1030];
	v7 =	vadd.f32 v7, v9;
	v5 =	vadd.f32 v13, v5  }
0x35: {  	v17 =	vld [tilespmem:s25+$0x1040];
	v3 =	vadd.f32 v8, v3;
	v4 =	vadd.f32 v14, v4  }
0x36: {  	v9 =	vld [tilespmem:s25+$0x1070];
	v1 =	vadd.f32 v10, v1;
	v2 =	vadd.f32 v15, v2;
	v5 =	vmul.f32 $1.999999960e-02, v5  }
0x37: {  	s23 =	sshrl.u32 s23, $0x2;
	v3 =	vadd.f32 v12, v3;
	v4 =	vmul.f32 $1.999999960e-02, v4  }
0x38: {  	v1 =	vadd.f32 v11, v1;
	v2 =	vmul.f32 $1.999999960e-02, v2;
	[tilespmem:s23+$0x8000] =	vst v5  }
0x39: {  	v6 =	vadd.f32 v16, v6;
	v3 =	vmul.f32 $1.999999960e-02, v3;
	[tilespmem:s23+$0x8010] =	vst v4  }
0x3a: {  	v7 =	vadd.f32 v17, v7;
	v1 =	vmul.f32 $1.999999960e-02, v1;
	[tilespmem:s23+$0x8020] =	vst v2  }
0x3b: {  	v0 =	vadd.f32 v9, v0;
	v4 =	vmul.f32 $1.999999960e-02, v6;
	[tilespmem:s23+$0x8050] =	vst v3  }
0x3c: {  	v2 =	vmul.f32 $1.999999960e-02, v7;
	[tilespmem:s23+$0x8060] =	vst v1  }
0x3d: {  	v0 =	vmul.f32 $1.999999960e-02, v0;
	[tilespmem:s23+$0x8030] =	vst v4  }
0x3e: {  	[tilespmem:s23+$0x8040] =	vst v2  }
0x3f: {  	[tilespmem:s23+$0x8070] =	vst v0  }
0x40: {  	_ =	swait.ge [sflag:s17], $0x1900  }
0x41: {  	s26 =	simm.s32 @!p0 $0x32;
	s28 =	simm.s32 @!p0 $0x2C00;
	[sflag:s17] =	ssyncset.done $0x0  }
0x42: {  	s31 =	simm.s32 $0x0;
	s25 =	sadd.s32 @!p0 $0x280, s24;
	[sflag:s17] =	ssyncadd.s32 $0xFFFFE700  }
0x43: {  	[tilespmem:s28], [sflag:$0x2] =	stream.indirect.gather @!p0 [hbm4b:s1+s26], $0x80, s25, s26, $0xb8;
	[tilespmem:$0x9000] =	vst v63  }
0x44: {  	v0 =	vld [tilespmem:s31+$0x2C70]  }
0x45: {  	v2 =	vld [tilespmem:s31+$0x2C00]  }
0x46: {  	v3 =	vld [tilespmem:s31+$0x2C10]  }
0x47: {  	v12 =	vld [tilespmem:s31+$0x2C20]  }
0x48: {  	v10 =	vld [tilespmem:s31+$0x2C30]  }
0x49: {  	v9 =	vimm.f32 $0.0e+00;
	v1 =	vimm.f32 $0.0e+00;
	v7 =	vld [tilespmem:s31+$0x2C40]  }
0x4a: {  	v6 =	vimm.f32 $0.0e+00;
	v8 =	vld [tilespmem:s31+$0x2C50];
	v0 =	vadd.f32 v0, v1;
	v5 =	vadd.f32 v2, v1  }
0x4b: {  	s25 =	simm.s32 $0x80;
	s26 =	simm.s32 $0x400;
	v11 =	vld [tilespmem:s31+$0x2C60];
	v4 =	vadd.f32 v3, v1;
	v3 =	vimm.f32 $0.0e+00;
	v2 =	vimm.f32 $0.0e+00  }
.LBB2_5:
0x4c: {  	p1 =	sne.s32 s26, $0x6200;
	v13 =	vld [tilespmem:s25+$0x2C70];
	v1 =	vadd.f32 v12, v1  }
0x4d: {  	v14 =	vld [tilespmem:s25+$0x2C00];
	v6 =	vadd.f32 v10, v6  }
0x4e: {  	v15 =	vld [tilespmem:s25+$0x2C10];
	v9 =	vadd.f32 v7, v9  }
.Ltmp1:
0x4f: {  	v12 =	vld [tilespmem:s25+$0x2C20];
	v3 =	vadd.f32 v8, v3;
	(pc) =	sbr.rel @p1 .LBB2_5-.Ltmp1, $4  }
0x50: {  	v10 =	vld [tilespmem:s25+$0x2C30];
	v2 =	vadd.f32 v11, v2  }
0x51: {  	v7 =	vld [tilespmem:s25+$0x2C40];
	v0 =	vadd.f32 v13, v0  }
0x52: {  	v5 =	vadd.f32 v14, v5;
	v8 =	vld [tilespmem:s25+$0x2C50]  }
0x53: {  	v4 =	vadd.f32 v15, v4;
	v11 =	vld [tilespmem:s25+$0x2C60];
	s25 =	sshra.s32 s26, $0x2;
	s26 =	sadd.s32 $0x200, s26  }
0x54: {  	v13 =	vld [tilespmem:s25+$0x2C00]  }
0x55: {  	v14 =	vld [tilespmem:s25+$0x2C10]  }
0x56: {  	v15 =	vld [tilespmem:s25+$0x2C20]  }
0x57: {  	v1 =	vadd.f32 v12, v1;
	v12 =	vld [tilespmem:s25+$0x2C50]  }
0x58: {  	v16 =	vld [tilespmem:s25+$0x2C30]  }
0x59: {  	v17 =	vld [tilespmem:s25+$0x2C40];
	v7 =	vadd.f32 v7, v9;
	v5 =	vadd.f32 v13, v5  }
0x5a: {  	v9 =	vld [tilespmem:s25+$0x2C70];
	v3 =	vadd.f32 v8, v3;
	v4 =	vadd.f32 v14, v4  }
0x5b: {  	v6 =	vadd.f32 v10, v6;
	v10 =	vld [tilespmem:s25+$0x2C60];
	v1 =	vadd.f32 v15, v1;
	v5 =	vmul.f32 $1.999999960e-02, v5  }
0x5c: {  	v3 =	vadd.f32 v12, v3;
	v4 =	vmul.f32 $1.999999960e-02, v4  }
0x5d: {  	v6 =	vadd.f32 v16, v6;
	v1 =	vmul.f32 $1.999999960e-02, v1;
	[tilespmem:s23+$0x8080] =	vst v5  }
0x5e: {  	v2 =	vadd.f32 v11, v2;
	v7 =	vadd.f32 v17, v7;
	v3 =	vmul.f32 $1.999999960e-02, v3;
	[tilespmem:s23+$0x8090] =	vst v4  }
0x5f: {  	v0 =	vadd.f32 v9, v0;
	v4 =	vmul.f32 $1.999999960e-02, v6;
	[tilespmem:s23+$0x80A0] =	vst v1  }
0x60: {  	v2 =	vadd.f32 v10, v2;
	v1 =	vmul.f32 $1.999999960e-02, v7;
	[tilespmem:s23+$0x80D0] =	vst v3  }
0x61: {  	v0 =	vmul.f32 $1.999999960e-02, v0;
	[tilespmem:s23+$0x80B0] =	vst v4  }
0x62: {  	[tilespmem:s23+$0x80C0] =	vst v1;
	v1 =	vmul.f32 $1.999999960e-02, v2  }
0x63: {  	[tilespmem:s23+$0x80F0] =	vst v0  }
0x64: {  	[tilespmem:s23+$0x80E0] =	vst v1  }
0x65: {  	_ =	swait.ge [sflag:s18], $0x1900  }
0x66: {  	s26 =	simm.s32 @!p0 $0x32;
	s28 =	simm.s32 @!p0 $0x4800;
	[sflag:s18] =	ssyncset.done $0x0  }
0x67: {  	s31 =	simm.s32 $0x0;
	s25 =	sadd.s32 @!p0 $0x300, s24;
	[sflag:s18] =	ssyncadd.s32 $0xFFFFE700  }
0x68: {  	[tilespmem:s28], [sflag:$0x3] =	stream.indirect.gather @!p0 [hbm4b:s1+s26], $0x80, s25, s26, $0xb8;
	[tilespmem:$0x9000] =	vst v63  }
0x69: {  	v0 =	vld [tilespmem:s31+$0x4870]  }
0x6a: {  	v2 =	vld [tilespmem:s31+$0x4800]  }
0x6b: {  	v3 =	vld [tilespmem:s31+$0x4810]  }
0x6c: {  	v12 =	vld [tilespmem:s31+$0x4820]  }
0x6d: {  	v10 =	vld [tilespmem:s31+$0x4830]  }
0x6e: {  	v9 =	vimm.f32 $0.0e+00;
	v1 =	vimm.f32 $0.0e+00;
	v7 =	vld [tilespmem:s31+$0x4840]  }
0x6f: {  	v6 =	vimm.f32 $0.0e+00;
	v8 =	vld [tilespmem:s31+$0x4850];
	v0 =	vadd.f32 v0, v1;
	v5 =	vadd.f32 v2, v1  }
0x70: {  	s25 =	simm.s32 $0x80;
	s26 =	simm.s32 $0x400;
	v11 =	vld [tilespmem:s31+$0x4860];
	v4 =	vadd.f32 v3, v1;
	v3 =	vimm.f32 $0.0e+00;
	v2 =	vimm.f32 $0.0e+00  }
.LBB2_7:
0x71: {  	p1 =	sne.s32 s26, $0x6200;
	v13 =	vld [tilespmem:s25+$0x4870];
	v1 =	vadd.f32 v12, v1  }
0x72: {  	v14 =	vld [tilespmem:s25+$0x4800];
	v6 =	vadd.f32 v10, v6  }
0x73: {  	v15 =	vld [tilespmem:s25+$0x4810];
	v9 =	vadd.f32 v7, v9  }
.Ltmp2:
0x74: {  	v12 =	vld [tilespmem:s25+$0x4820];
	v3 =	vadd.f32 v8, v3;
	(pc) =	sbr.rel @p1 .LBB2_7-.Ltmp2, $4  }
0x75: {  	v10 =	vld [tilespmem:s25+$0x4830];
	v2 =	vadd.f32 v11, v2  }
0x76: {  	v7 =	vld [tilespmem:s25+$0x4840];
	v0 =	vadd.f32 v13, v0  }
0x77: {  	v5 =	vadd.f32 v14, v5;
	v8 =	vld [tilespmem:s25+$0x4850]  }
0x78: {  	v4 =	vadd.f32 v15, v4;
	v11 =	vld [tilespmem:s25+$0x4860];
	s25 =	sshra.s32 s26, $0x2;
	s26 =	sadd.s32 $0x200, s26  }
0x79: {  	v13 =	vld [tilespmem:s25+$0x4800]  }
0x7a: {  	v14 =	vld [tilespmem:s25+$0x4810]  }
0x7b: {  	v15 =	vld [tilespmem:s25+$0x4820]  }
0x7c: {  	v1 =	vadd.f32 v12, v1;
	v12 =	vld [tilespmem:s25+$0x4850]  }
0x7d: {  	v16 =	vld [tilespmem:s25+$0x4830]  }
0x7e: {  	v17 =	vld [tilespmem:s25+$0x4840];
	v7 =	vadd.f32 v7, v9;
	v5 =	vadd.f32 v13, v5  }
0x7f: {  	v9 =	vld [tilespmem:s25+$0x4870];
	v3 =	vadd.f32 v8, v3;
	v4 =	vadd.f32 v14, v4  }
0x80: {  	v6 =	vadd.f32 v10, v6;
	v10 =	vld [tilespmem:s25+$0x4860];
	v1 =	vadd.f32 v15, v1;
	v5 =	vmul.f32 $1.999999960e-02, v5  }
0x81: {  	v3 =	vadd.f32 v12, v3;
	v4 =	vmul.f32 $1.999999960e-02, v4  }
0x82: {  	v6 =	vadd.f32 v16, v6;
	v1 =	vmul.f32 $1.999999960e-02, v1;
	[tilespmem:s23+$0x8100] =	vst v5  }
0x83: {  	v2 =	vadd.f32 v11, v2;
	v7 =	vadd.f32 v17, v7;
	v3 =	vmul.f32 $1.999999960e-02, v3;
	[tilespmem:s23+$0x8110] =	vst v4  }
0x84: {  	v0 =	vadd.f32 v9, v0;
	v4 =	vmul.f32 $1.999999960e-02, v6;
	[tilespmem:s23+$0x8120] =	vst v1  }
0x85: {  	v2 =	vadd.f32 v10, v2;
	v1 =	vmul.f32 $1.999999960e-02, v7;
	[tilespmem:s23+$0x8150] =	vst v3  }
0x86: {  	v0 =	vmul.f32 $1.999999960e-02, v0;
	[tilespmem:s23+$0x8130] =	vst v4  }
0x87: {  	[tilespmem:s23+$0x8140] =	vst v1;
	v1 =	vmul.f32 $1.999999960e-02, v2  }
0x88: {  	[tilespmem:s23+$0x8170] =	vst v0  }
0x89: {  	[tilespmem:s23+$0x8160] =	vst v1  }
0x8a: {  	_ =	swait.ge [sflag:s19], $0x1900  }
0x8b: {  	s24 =	sadd.s32 @!p0 $0x380, s24;
	s26 =	simm.s32 @!p0 $0x6400;
	[sflag:s19] =	ssyncset.done $0x0  }
0x8c: {  	s31 =	simm.s32 $0x0;
	s25 =	simm.s32 @!p0 $0x32;
	[sflag:s19] =	ssyncadd.s32 $0xFFFFE700  }
0x8d: {  	[tilespmem:s26], [sflag:$0x4] =	stream.indirect.gather @!p0 [hbm4b:s1+s25], $0x80, s24, s25, $0xb8;
	[tilespmem:$0x9000] =	vst v63  }
0x8e: {  	v0 =	vld [tilespmem:s31+$0x6470]  }
0x8f: {  	v2 =	vld [tilespmem:s31+$0x6400]  }
0x90: {  	v3 =	vld [tilespmem:s31+$0x6410]  }
0x91: {  	v12 =	vld [tilespmem:s31+$0x6420]  }
0x92: {  	v10 =	vld [tilespmem:s31+$0x6430]  }
0x93: {  	v9 =	vimm.f32 $0.0e+00;
	v1 =	vimm.f32 $0.0e+00;
	v7 =	vld [tilespmem:s31+$0x6440]  }
0x94: {  	v6 =	vimm.f32 $0.0e+00;
	v8 =	vld [tilespmem:s31+$0x6450];
	v0 =	vadd.f32 v0, v1;
	v5 =	vadd.f32 v2, v1  }
0x95: {  	s24 =	simm.s32 $0x80;
	s25 =	simm.s32 $0x400;
	v11 =	vld [tilespmem:s31+$0x6460];
	v4 =	vadd.f32 v3, v1;
	v3 =	vimm.f32 $0.0e+00;
	v2 =	vimm.f32 $0.0e+00  }
.LBB2_9:
0x96: {  	p0 =	sne.s32 s25, $0x6200;
	v13 =	vld [tilespmem:s24+$0x6470];
	v1 =	vadd.f32 v12, v1  }
0x97: {  	v14 =	vld [tilespmem:s24+$0x6400];
	v6 =	vadd.f32 v10, v6  }
0x98: {  	v15 =	vld [tilespmem:s24+$0x6410];
	v9 =	vadd.f32 v7, v9  }
.Ltmp3:
0x99: {  	v12 =	vld [tilespmem:s24+$0x6420];
	v3 =	vadd.f32 v8, v3;
	(pc) =	sbr.rel @p0 .LBB2_9-.Ltmp3, $4  }
0x9a: {  	v10 =	vld [tilespmem:s24+$0x6430];
	v2 =	vadd.f32 v11, v2  }
0x9b: {  	v7 =	vld [tilespmem:s24+$0x6440];
	v0 =	vadd.f32 v13, v0  }
0x9c: {  	v5 =	vadd.f32 v14, v5;
	v8 =	vld [tilespmem:s24+$0x6450]  }
0x9d: {  	v4 =	vadd.f32 v15, v4;
	v11 =	vld [tilespmem:s24+$0x6460];
	s24 =	sshra.s32 s25, $0x2;
	s25 =	sadd.s32 $0x200, s25  }
0x9e: {  	v13 =	vld [tilespmem:s24+$0x6400]  }
0x9f: {  	v14 =	vld [tilespmem:s24+$0x6410]  }
0xa0: {  	v15 =	vld [tilespmem:s24+$0x6420]  }
0xa1: {  	v16 =	vld [tilespmem:s24+$0x6430]  }
0xa2: {  	v17 =	vld [tilespmem:s24+$0x6440]  }
0xa3: {  	v1 =	vadd.f32 v12, v1;
	v58 =	vld [tilespmem:s24+$0x6450];
	v5 =	vadd.f32 v13, v5  }
0xa4: {  	v60 =	vld [tilespmem:s24+$0x6470];
	v6 =	vadd.f32 v10, v6;
	v4 =	vadd.f32 v14, v4  }
0xa5: {  	v59 =	vld [tilespmem:s24+$0x6460];
	v7 =	vadd.f32 v7, v9;
	v1 =	vadd.f32 v15, v1;
	v5 =	vmul.f32 $1.999999960e-02, v5  }
0xa6: {  	v3 =	vadd.f32 v8, v3;
	v6 =	vadd.f32 v16, v6;
	v4 =	vmul.f32 $1.999999960e-02, v4  }
0xa7: {  	v7 =	vadd.f32 v17, v7;
	v1 =	vmul.f32 $1.999999960e-02, v1;
	[tilespmem:s23+$0x8180] =	vst v5  }
0xa8: {  	s22 =	sadd.s32 $0x1, s22;
	v2 =	vadd.f32 v11, v2;
	v3 =	vadd.f32 v58, v3;
	v61 =	vmul.f32 $1.999999960e-02, v6;
	[tilespmem:s23+$0x8190] =	vst v4  }
0xa9: {  	p0 =	sne.s32 s22, $0x8;
	v0 =	vadd.f32 v60, v0;
	v62 =	vmul.f32 $1.999999960e-02, v7;
	[tilespmem:s23+$0x81A0] =	vst v1  }
.Ltmp4:
0xaa: {  	v2 =	vadd.f32 v59, v2;
	v3 =	vmul.f32 $1.999999960e-02, v3;
	[tilespmem:s23+$0x81B0] =	vst v61;
	(pc) =	sbr.rel @p0 .LBB2_2-.Ltmp4, $4  }
0xab: {  	v0 =	vmul.f32 $1.999999960e-02, v0;
	[tilespmem:s23+$0x81C0] =	vst v62  }
0xac: {  	v63 =	vmul.f32 $1.999999960e-02, v2;
	[tilespmem:s23+$0x81D0] =	vst v3  }
0xad: {  	[tilespmem:s23+$0x81F0] =	vst v0  }
0xae: {  	[tilespmem:s23+$0x81E0] =	vst v63  }
0xaf: {  	s21 =	sadd.s32 $0x1, s21  }
0xb0: {  	p0 =	sne.s32 s21, s6  }
.Ltmp5:
0xb1: {  	_ = 	snop;
	(pc) =	sbr.rel @p0 .LBB2_1-.Ltmp5, $4  }
0xb2: {  	[hbm4b:s5+s3] =	stream.linear.scatter [tilespmem:s20], [sflag:$0x5], $0x1000, $0x38;
	[tilespmem:$0x9000] =	vst v63  }
0xb3: {  	_ =	swait.ge [sflag:s7], $0x1000  }
0xb4: {  	[sflag:s7] =	ssyncset.done $0x0  }
0xb5: {  	[sflag:s7] =	ssyncadd.s32 $0xFFFFF000  }
0xb6: {  	_ =	sfence.sel $0x180000  }
0xb7: {  	[bflag:$0x0] =	sbarrier.arrive $0xFFFF  }
0xb8: {  	p0 =	sne.s32 s2, $0x0;
	_ =	strace $0x90000047  }
0xb9: {  	s0 =	sadd.s32 @!p0 $0x100000, s0;
	[bflag:$0x2] =	sbarrier.arrive $0xFFFF  }
0xba: {  	[sflag:s0] =	ssyncadd.tile.s32 @!p0 $0x1;
	_ =	shalt  }
.Lfunc_end2:
_tile_overlayer_lowered:
.L_overlay_start_2:
0xbb: {  	(tag) =	ssettag $0x2  }
0xbc: {  	s0 =	rddreg [dreg:$0x0];
	s2 =	stileid.u32  }
0xbd: {  	s1 =	rddreg [dreg:$0x1];
	p0 =	sne.s32 s2, $0x0  }
0xbe: {  	s3 =	rddreg [dreg:$0x2];
	[bflag:$0x3] =	sbarrier.arrive $0xFFFF;
	s2 =	simm.s32 @!p0 $0x1C05  }
0xbf: {  	[timem:s3], [sflag:s2] =	dma.local @!p0 [hbm:s0], s1  }
0xc0: {  	s0 =	simm.s32 @!p0 $0x5  }
0xc1: {  	_ =	swait.ge @!p0 [sflag:s0], s1  }
0xc2: {  	s1 =	ssub.s32 @!p0 $0x0, s1;
	[sflag:s0] =	ssyncset.done @!p0 $0x0  }
0xc3: {  	[sflag:s0] =	ssyncadd.s32 @!p0 s1  }
0xc4: {  	[bflag:$0x3] =	sbarrier.arrive $0xFFFF  }
0xc5: {  	_ =	shalt  }

</sc_bundles>
